<compile_context>
chip_gen: v7x
topology: tpu7x:2x2x1
jax: 0.10.2.dev20260603
libtpu: 0.0.44.dev20260713+nightly
codegen_flags: <defaults>
</compile_context>

<pallas_src>
import functools

import jax
import jax.numpy as jnp
from jax import lax
from jax.experimental import pallas as pl
from jax.experimental.pallas import tpu as pltpu
from jax.experimental.pallas import tpu_sc as plsc

N_TOKENS = 8192
D = 1280
K = 8192


def _gather_rows(embed, idx):
    info = plsc.get_sparse_core_info()
    nw = info.num_cores * info.num_subcores
    bpw = N_TOKENS // nw
    chunk = 32
    nch = bpw // chunk
    mesh = plsc.VectorSubcoreMesh(core_axis_name="c", subcore_axis_name="s")

    @functools.partial(
        pl.kernel, mesh=mesh,
        out_type=jax.ShapeDtypeStruct((N_TOKENS, D), jnp.float32),
        scratch_types=[
            pltpu.VMEM((bpw,), jnp.int32),
            pltpu.VMEM((chunk, D), jnp.float32),
            pltpu.VMEM((chunk, D), jnp.float32),
            pltpu.SemaphoreType.DMA,
            pltpu.SemaphoreType.DMA,
            pltpu.SemaphoreType.DMA,
            pltpu.SemaphoreType.DMA,
        ],
    )
    def body(table_hbm, idx_hbm, out_hbm, idx_all, rows0, rows1,
             semg0, semg1, semw0, semw1):
        wid = lax.axis_index("s") * info.num_cores + lax.axis_index("c")
        base = wid * bpw
        rows_v = (rows0, rows1)
        semg = (semg0, semg1)
        semw = (semw0, semw1)
        gpend = [None, None]
        wpend = [None, None]
        pltpu.sync_copy(idx_hbm.at[pl.ds(base, bpw)], idx_all)
        for c in range(nch):
            b = c % 2
            if c >= 2:
                wpend[b].wait()
            gpend[b] = pltpu.async_copy(
                table_hbm.at[idx_all.at[pl.ds(c * chunk, chunk)]],
                rows_v[b], semg[b])
            if c >= 1:
                pb = 1 - b
                gpend[pb].wait()
                wpend[pb] = pltpu.async_copy(
                    rows_v[pb],
                    out_hbm.at[pl.ds(base + (c - 1) * chunk, chunk)], semw[pb])
        lb = (nch - 1) % 2
        gpend[lb].wait()
        wpend[lb] = pltpu.async_copy(
            rows_v[lb], out_hbm.at[pl.ds(base + (nch - 1) * chunk, chunk)],
            semw[lb])
        wpend[1 - lb].wait()
        wpend[lb].wait()

    return body(embed, idx)


def kernel(x, embed):
    x_sq = jnp.sum(x * x, axis=1, keepdims=True)
    e_sq = jnp.sum(embed * embed, axis=1)[None, :]
    dist = -(x_sq - 2.0 * (x @ embed.T) + e_sq)
    idx = jnp.argmax(dist, axis=-1)
    quant = _gather_rows(embed, idx)
    return idx[None, None, :], quant

# --- scband reference (transcript-rebuilt; emitter-appended) ---
"""Pipeline reference for scband-qwen3-ttstokenizer-single-codebook-whisper-encoder-vq-12524124636039 (READ-ONLY COPY).

The authoritative reference and input builder live on the scoring server;
editing this copy changes nothing except your own understanding.
"""

import jax, jax.numpy as jnp
import numpy as np

N_TOK = 8192
DIM = 1280
CODEBOOK_SIZE = 8192


def setup_inputs(seed: int = 0) -> dict:
    key = jax.random.key(seed)
    k1, k2 = jax.random.split(key)
    x = jax.random.normal(k1, (N_TOK, DIM), dtype=jnp.float32)
    # kaiming_uniform_ init of the codebook buffer (num_quantizers=1, squeezed)
    bound = np.sqrt(6.0) / np.sqrt(DIM)
    embed = jax.random.uniform(k2, (CODEBOOK_SIZE, DIM), dtype=jnp.float32, minval=-bound, maxval=bound)
    return {"x": x, "embed": embed}


def reference(x, embed):
    # Qwen3TTSTokenizerSingleCodebookDistributedGroupRVQ with num_groups=1,
    # num_quantizers=1, no project_in/out (codebook_dim == dim).
    # encode: EuclideanCodebook.quantize
    #   dist = -(||x||^2 - 2 x E^T + ||e||^2); indices = argmax(dist)
    x_sq = jnp.sum(x * x, axis=1, keepdims=True)            # [N, 1]
    e_sq = jnp.sum(embed * embed, axis=1)[None, :]          # [1, K]
    dist = -(x_sq - 2.0 * (x @ embed.T) + e_sq)             # [N, K]
    embed_ind = jnp.argmax(dist, axis=-1)                   # [N]
    # RVQ encode stacks indices over quantizers -> [1, N]; group stack -> [1, 1, N]
    q_indices = embed_ind[None, None, :]
    # decode: quantized_out = 0 + F.embedding(indices, embed); group concat (1 group)
    quantized = jnp.take(embed, embed_ind, axis=0)          # [N, DIM]
    return q_indices, quantized

if __name__ == "__main__":
    import jax
    _d = setup_inputs()
    print(jax.jit(kernel)(*tuple(_d.values())))

</pallas_src>

<mosaic_0001>
#map = affine_map<(d0, d1) -> (0, 0)>
#map1 = affine_map<(d0, d1) -> (0)>
module attributes {stable_mosaic.version = 14 : i64} {
  func.func @body(%arg0: i32, %arg1: i32, %arg2: memref<8192x1280xf32, #tpu.memory_space<hbm>>, %arg3: memref<8192xi32, #tpu.memory_space<hbm>>, %arg4: memref<8192x1280xf32, #tpu.memory_space<hbm>>, %arg5: memref<256xi32, #tpu.memory_space<vmem>>, %arg6: memref<32x1280xf32, #tpu.memory_space<vmem>>, %arg7: memref<32x1280xf32, #tpu.memory_space<vmem>>, %arg8: memref<!tpu.dma_semaphore, #tpu.memory_space<semaphore_mem>>, %arg9: memref<!tpu.dma_semaphore, #tpu.memory_space<semaphore_mem>>, %arg10: memref<!tpu.dma_semaphore, #tpu.memory_space<semaphore_mem>>, %arg11: memref<!tpu.dma_semaphore, #tpu.memory_space<semaphore_mem>>) attributes {dimension_semantics = [#tpu.dimension_semantics<core_parallel>, #tpu.dimension_semantics<subcore_parallel>], iteration_bounds = array<i64: 2, 16>, scalar_prefetch = 0 : i64, scratch_operands = 7 : i64, tpu.core_type = #tpu.core_type<sc_vector_subcore>, window_params = [{transform_indices = #map}, {transform_indices = #map1}, {transform_indices = #map}]} {
    %mul3A = arith.constant 2 : i32
    %mul3A_0 = arith.muli %arg1, %mul3A : i32
    %add3A = arith.addi %mul3A_0, %arg0 : i32
    %mul3A_1 = arith.constant 256 : i32
    %mul3A_2 = arith.muli %add3A, %mul3A_1 : i32
    "tpu.region"() ({
      %run_scoped3A = tpu.sem_alloc : memref<!tpu.dma_semaphore, #tpu.memory_space<semaphore_mem>>
      %dma_start3A_161 = tpu.memref_slice %arg3[%mul3A_2] : memref<8192xi32, #tpu.memory_space<hbm>> -> memref<256xi32, #tpu.memory_space<hbm>>
      %dma_start3A_162 = tpu.memref_slice %arg3[%mul3A_2] : memref<8192xi32, #tpu.memory_space<hbm>> -> memref<256xi32, #tpu.memory_space<hbm>>
      tpu.enqueue_dma source(%dma_start3A_162 : memref<256xi32, #tpu.memory_space<hbm>>) target(%arg5 : memref<256xi32, #tpu.memory_space<vmem>>) target_semaphore(%run_scoped3A : memref<!tpu.dma_semaphore, #tpu.memory_space<semaphore_mem>>)
      %dma_wait3A_163 = tpu.memref_slice %arg3[%mul3A_2] : memref<8192xi32, #tpu.memory_space<hbm>> -> memref<256xi32, #tpu.memory_space<hbm>>
      %dma_wait3A_164 = tpu.memref_slice %arg3[%mul3A_2] : memref<8192xi32, #tpu.memory_space<hbm>> -> memref<256xi32, #tpu.memory_space<hbm>>
      tpu.wait_dma2 semaphore(%run_scoped3A : memref<!tpu.dma_semaphore, #tpu.memory_space<semaphore_mem>>) src(%dma_wait3A_164 : memref<256xi32, #tpu.memory_space<hbm>>) dst(%arg5 : memref<256xi32, #tpu.memory_space<vmem>>)
      tpu.yield
    }) : () -> ()
    %dma_start3A = arith.constant 0 : i32
    %dma_start3A_3 = tpu.memref_slice %arg5[%dma_start3A] : memref<256xi32, #tpu.memory_space<vmem>> -> memref<32xi32, #tpu.memory_space<vmem>>
    %dma_start3A_4 = arith.constant 0 : i32
    %dma_start3A_5 = arith.constant 0 : i32
    %dma_start3A_6 = tpu.memref_slice %arg2[%dma_start3A_4, %dma_start3A_5] : memref<8192x1280xf32, #tpu.memory_space<hbm>> -> memref<8192x1280xf32, #tpu.memory_space<hbm>>
    tpu.enqueue_indirect_dma source(%dma_start3A_6 : memref<8192x1280xf32, #tpu.memory_space<hbm>>) target(%arg6 : memref<32x1280xf32, #tpu.memory_space<vmem>>) offsets(%dma_start3A_3 : memref<32xi32, #tpu.memory_space<vmem>>) semaphore(%arg8 : memref<!tpu.dma_semaphore, #tpu.memory_space<semaphore_mem>>)
    %dma_start3A_7 = arith.constant 32 : i32
    %dma_start3A_8 = tpu.memref_slice %arg5[%dma_start3A_7] : memref<256xi32, #tpu.memory_space<vmem>> -> memref<32xi32, #tpu.memory_space<vmem>>
    %dma_start3A_9 = arith.constant 0 : i32
    %dma_start3A_10 = arith.constant 0 : i32
    %dma_start3A_11 = tpu.memref_slice %arg2[%dma_start3A_9, %dma_start3A_10] : memref<8192x1280xf32, #tpu.memory_space<hbm>> -> memref<8192x1280xf32, #tpu.memory_space<hbm>>
    tpu.enqueue_indirect_dma source(%dma_start3A_11 : memref<8192x1280xf32, #tpu.memory_space<hbm>>) target(%arg7 : memref<32x1280xf32, #tpu.memory_space<vmem>>) offsets(%dma_start3A_8 : memref<32xi32, #tpu.memory_space<vmem>>) semaphore(%arg9 : memref<!tpu.dma_semaphore, #tpu.memory_space<semaphore_mem>>)
    %dma_wait3A = arith.constant 0 : i32
    %dma_wait3A_12 = tpu.memref_slice %arg5[%dma_wait3A] : memref<256xi32, #tpu.memory_space<vmem>> -> memref<32xi32, #tpu.memory_space<vmem>>
    %dma_wait3A_13 = arith.constant 0 : i32
    %dma_wait3A_14 = arith.constant 0 : i32
    %dma_wait3A_15 = tpu.memref_slice %arg2[%dma_wait3A_13, %dma_wait3A_14] : memref<8192x1280xf32, #tpu.memory_space<hbm>> -> memref<8192x1280xf32, #tpu.memory_space<hbm>>
    tpu.wait_indirect_dma semaphore(%arg8 : memref<!tpu.dma_semaphore, #tpu.memory_space<semaphore_mem>>) src(%dma_wait3A_15 : memref<8192x1280xf32, #tpu.memory_space<hbm>>) dst(%arg6 : memref<32x1280xf32, #tpu.memory_space<vmem>>)
    %add3A_16 = arith.constant 0 : i32
    %add3A_17 = arith.addi %mul3A_2, %add3A_16 : i32
    %dma_start3A_18 = arith.constant 0 : i32
    %dma_start3A_19 = tpu.memref_slice %arg4[%add3A_17, %dma_start3A_18] : memref<8192x1280xf32, #tpu.memory_space<hbm>> -> memref<32x1280xf32, #tpu.memory_space<hbm>>
    %dma_start3A_20 = arith.constant 0 : i32
    %dma_start3A_21 = tpu.memref_slice %arg4[%add3A_17, %dma_start3A_20] : memref<8192x1280xf32, #tpu.memory_space<hbm>> -> memref<32x1280xf32, #tpu.memory_space<hbm>>
    tpu.enqueue_dma source(%arg6 : memref<32x1280xf32, #tpu.memory_space<vmem>>) target(%dma_start3A_21 : memref<32x1280xf32, #tpu.memory_space<hbm>>) target_semaphore(%arg10 : memref<!tpu.dma_semaphore, #tpu.memory_space<semaphore_mem>>)
    %dma_wait3A_22 = arith.constant 0 : i32
    %dma_wait3A_23 = tpu.memref_slice %arg4[%add3A_17, %dma_wait3A_22] : memref<8192x1280xf32, #tpu.memory_space<hbm>> -> memref<32x1280xf32, #tpu.memory_space<hbm>>
    %dma_wait3A_24 = arith.constant 0 : i32
    %dma_wait3A_25 = tpu.memref_slice %arg4[%add3A_17, %dma_wait3A_24] : memref<8192x1280xf32, #tpu.memory_space<hbm>> -> memref<32x1280xf32, #tpu.memory_space<hbm>>
    tpu.wait_dma2 semaphore(%arg10 : memref<!tpu.dma_semaphore, #tpu.memory_space<semaphore_mem>>) src(%arg6 : memref<32x1280xf32, #tpu.memory_space<vmem>>) dst(%dma_wait3A_25 : memref<32x1280xf32, #tpu.memory_space<hbm>>)
    %dma_start3A_26 = arith.constant 64 : i32
    %dma_start3A_27 = tpu.memref_slice %arg5[%dma_start3A_26] : memref<256xi32, #tpu.memory_space<vmem>> -> memref<32xi32, #tpu.memory_space<vmem>>
    %dma_start3A_28 = arith.constant 0 : i32
    %dma_start3A_29 = arith.constant 0 : i32
    %dma_start3A_30 = tpu.memref_slice %arg2[%dma_start3A_28, %dma_start3A_29] : memref<8192x1280xf32, #tpu.memory_space<hbm>> -> memref<8192x1280xf32, #tpu.memory_space<hbm>>
    tpu.enqueue_indirect_dma source(%dma_start3A_30 : memref<8192x1280xf32, #tpu.memory_space<hbm>>) target(%arg6 : memref<32x1280xf32, #tpu.memory_space<vmem>>) offsets(%dma_start3A_27 : memref<32xi32, #tpu.memory_space<vmem>>) semaphore(%arg8 : memref<!tpu.dma_semaphore, #tpu.memory_space<semaphore_mem>>)
    %dma_wait3A_31 = arith.constant 32 : i32
    %dma_wait3A_32 = tpu.memref_slice %arg5[%dma_wait3A_31] : memref<256xi32, #tpu.memory_space<vmem>> -> memref<32xi32, #tpu.memory_space<vmem>>
    %dma_wait3A_33 = arith.constant 0 : i32
    %dma_wait3A_34 = arith.constant 0 : i32
    %dma_wait3A_35 = tpu.memref_slice %arg2[%dma_wait3A_33, %dma_wait3A_34] : memref<8192x1280xf32, #tpu.memory_space<hbm>> -> memref<8192x1280xf32, #tpu.memory_space<hbm>>
    tpu.wait_indirect_dma semaphore(%arg9 : memref<!tpu.dma_semaphore, #tpu.memory_space<semaphore_mem>>) src(%dma_wait3A_35 : memref<8192x1280xf32, #tpu.memory_space<hbm>>) dst(%arg7 : memref<32x1280xf32, #tpu.memory_space<vmem>>)
    %add3A_36 = arith.constant 32 : i32
    %add3A_37 = arith.addi %mul3A_2, %add3A_36 : i32
    %dma_start3A_38 = arith.constant 0 : i32
    %dma_start3A_39 = tpu.memref_slice %arg4[%add3A_37, %dma_start3A_38] : memref<8192x1280xf32, #tpu.memory_space<hbm>> -> memref<32x1280xf32, #tpu.memory_space<hbm>>
    %dma_start3A_40 = arith.constant 0 : i32
    %dma_start3A_41 = tpu.memref_slice %arg4[%add3A_37, %dma_start3A_40] : memref<8192x1280xf32, #tpu.memory_space<hbm>> -> memref<32x1280xf32, #tpu.memory_space<hbm>>
    tpu.enqueue_dma source(%arg7 : memref<32x1280xf32, #tpu.memory_space<vmem>>) target(%dma_start3A_41 : memref<32x1280xf32, #tpu.memory_space<hbm>>) target_semaphore(%arg11 : memref<!tpu.dma_semaphore, #tpu.memory_space<semaphore_mem>>)
    %dma_wait3A_42 = arith.constant 0 : i32
    %dma_wait3A_43 = tpu.memref_slice %arg4[%add3A_37, %dma_wait3A_42] : memref<8192x1280xf32, #tpu.memory_space<hbm>> -> memref<32x1280xf32, #tpu.memory_space<hbm>>
    %dma_wait3A_44 = arith.constant 0 : i32
    %dma_wait3A_45 = tpu.memref_slice %arg4[%add3A_37, %dma_wait3A_44] : memref<8192x1280xf32, #tpu.memory_space<hbm>> -> memref<32x1280xf32, #tpu.memory_space<hbm>>
    tpu.wait_dma2 semaphore(%arg11 : memref<!tpu.dma_semaphore, #tpu.memory_space<semaphore_mem>>) src(%arg7 : memref<32x1280xf32, #tpu.memory_space<vmem>>) dst(%dma_wait3A_45 : memref<32x1280xf32, #tpu.memory_space<hbm>>)
    %dma_start3A_46 = arith.constant 96 : i32
    %dma_start3A_47 = tpu.memref_slice %arg5[%dma_start3A_46] : memref<256xi32, #tpu.memory_space<vmem>> -> memref<32xi32, #tpu.memory_space<vmem>>
    %dma_start3A_48 = arith.constant 0 : i32
    %dma_start3A_49 = arith.constant 0 : i32
    %dma_start3A_50 = tpu.memref_slice %arg2[%dma_start3A_48, %dma_start3A_49] : memref<8192x1280xf32, #tpu.memory_space<hbm>> -> memref<8192x1280xf32, #tpu.memory_space<hbm>>
    tpu.enqueue_indirect_dma source(%dma_start3A_50 : memref<8192x1280xf32, #tpu.memory_space<hbm>>) target(%arg7 : memref<32x1280xf32, #tpu.memory_space<vmem>>) offsets(%dma_start3A_47 : memref<32xi32, #tpu.memory_space<vmem>>) semaphore(%arg9 : memref<!tpu.dma_semaphore, #tpu.memory_space<semaphore_mem>>)
    %dma_wait3A_51 = arith.constant 64 : i32
    %dma_wait3A_52 = tpu.memref_slice %arg5[%dma_wait3A_51] : memref<256xi32, #tpu.memory_space<vmem>> -> memref<32xi32, #tpu.memory_space<vmem>>
    %dma_wait3A_53 = arith.constant 0 : i32
    %dma_wait3A_54 = arith.constant 0 : i32
    %dma_wait3A_55 = tpu.memref_slice %arg2[%dma_wait3A_53, %dma_wait3A_54] : memref<8192x1280xf32, #tpu.memory_space<hbm>> -> memref<8192x1280xf32, #tpu.memory_space<hbm>>
    tpu.wait_indirect_dma semaphore(%arg8 : memref<!tpu.dma_semaphore, #tpu.memory_space<semaphore_mem>>) src(%dma_wait3A_55 : memref<8192x1280xf32, #tpu.memory_space<hbm>>) dst(%arg6 : memref<32x1280xf32, #tpu.memory_space<vmem>>)
    %add3A_56 = arith.constant 64 : i32
    %add3A_57 = arith.addi %mul3A_2, %add3A_56 : i32
    %dma_start3A_58 = arith.constant 0 : i32
    %dma_start3A_59 = tpu.memref_slice %arg4[%add3A_57, %dma_start3A_58] : memref<8192x1280xf32, #tpu.memory_space<hbm>> -> memref<32x1280xf32, #tpu.memory_space<hbm>>
    %dma_start3A_60 = arith.constant 0 : i32
    %dma_start3A_61 = tpu.memref_slice %arg4[%add3A_57, %dma_start3A_60] : memref<8192x1280xf32, #tpu.memory_space<hbm>> -> memref<32x1280xf32, #tpu.memory_space<hbm>>
    tpu.enqueue_dma source(%arg6 : memref<32x1280xf32, #tpu.memory_space<vmem>>) target(%dma_start3A_61 : memref<32x1280xf32, #tpu.memory_space<hbm>>) target_semaphore(%arg10 : memref<!tpu.dma_semaphore, #tpu.memory_space<semaphore_mem>>)
    %dma_wait3A_62 = arith.constant 0 : i32
    %dma_wait3A_63 = tpu.memref_slice %arg4[%add3A_57, %dma_wait3A_62] : memref<8192x1280xf32, #tpu.memory_space<hbm>> -> memref<32x1280xf32, #tpu.memory_space<hbm>>
    %dma_wait3A_64 = arith.constant 0 : i32
    %dma_wait3A_65 = tpu.memref_slice %arg4[%add3A_57, %dma_wait3A_64] : memref<8192x1280xf32, #tpu.memory_space<hbm>> -> memref<32x1280xf32, #tpu.memory_space<hbm>>
    tpu.wait_dma2 semaphore(%arg10 : memref<!tpu.dma_semaphore, #tpu.memory_space<semaphore_mem>>) src(%arg6 : memref<32x1280xf32, #tpu.memory_space<vmem>>) dst(%dma_wait3A_65 : memref<32x1280xf32, #tpu.memory_space<hbm>>)
    %dma_start3A_66 = arith.constant 128 : i32
    %dma_start3A_67 = tpu.memref_slice %arg5[%dma_start3A_66] : memref<256xi32, #tpu.memory_space<vmem>> -> memref<32xi32, #tpu.memory_space<vmem>>
    %dma_start3A_68 = arith.constant 0 : i32
    %dma_start3A_69 = arith.constant 0 : i32
    %dma_start3A_70 = tpu.memref_slice %arg2[%dma_start3A_68, %dma_start3A_69] : memref<8192x1280xf32, #tpu.memory_space<hbm>> -> memref<8192x1280xf32, #tpu.memory_space<hbm>>
    tpu.enqueue_indirect_dma source(%dma_start3A_70 : memref<8192x1280xf32, #tpu.memory_space<hbm>>) target(%arg6 : memref<32x1280xf32, #tpu.memory_space<vmem>>) offsets(%dma_start3A_67 : memref<32xi32, #tpu.memory_space<vmem>>) semaphore(%arg8 : memref<!tpu.dma_semaphore, #tpu.memory_space<semaphore_mem>>)
    %dma_wait3A_71 = arith.constant 96 : i32
    %dma_wait3A_72 = tpu.memref_slice %arg5[%dma_wait3A_71] : memref<256xi32, #tpu.memory_space<vmem>> -> memref<32xi32, #tpu.memory_space<vmem>>
    %dma_wait3A_73 = arith.constant 0 : i32
    %dma_wait3A_74 = arith.constant 0 : i32
    %dma_wait3A_75 = tpu.memref_slice %arg2[%dma_wait3A_73, %dma_wait3A_74] : memref<8192x1280xf32, #tpu.memory_space<hbm>> -> memref<8192x1280xf32, #tpu.memory_space<hbm>>
    tpu.wait_indirect_dma semaphore(%arg9 : memref<!tpu.dma_semaphore, #tpu.memory_space<semaphore_mem>>) src(%dma_wait3A_75 : memref<8192x1280xf32, #tpu.memory_space<hbm>>) dst(%arg7 : memref<32x1280xf32, #tpu.memory_space<vmem>>)
    %add3A_76 = arith.constant 96 : i32
    %add3A_77 = arith.addi %mul3A_2, %add3A_76 : i32
    %dma_start3A_78 = arith.constant 0 : i32
    %dma_start3A_79 = tpu.memref_slice %arg4[%add3A_77, %dma_start3A_78] : memref<8192x1280xf32, #tpu.memory_space<hbm>> -> memref<32x1280xf32, #tpu.memory_space<hbm>>
    %dma_start3A_80 = arith.constant 0 : i32
    %dma_start3A_81 = tpu.memref_slice %arg4[%add3A_77, %dma_start3A_80] : memref<8192x1280xf32, #tpu.memory_space<hbm>> -> memref<32x1280xf32, #tpu.memory_space<hbm>>
    tpu.enqueue_dma source(%arg7 : memref<32x1280xf32, #tpu.memory_space<vmem>>) target(%dma_start3A_81 : memref<32x1280xf32, #tpu.memory_space<hbm>>) target_semaphore(%arg11 : memref<!tpu.dma_semaphore, #tpu.memory_space<semaphore_mem>>)
    %dma_wait3A_82 = arith.constant 0 : i32
    %dma_wait3A_83 = tpu.memref_slice %arg4[%add3A_77, %dma_wait3A_82] : memref<8192x1280xf32, #tpu.memory_space<hbm>> -> memref<32x1280xf32, #tpu.memory_space<hbm>>
    %dma_wait3A_84 = arith.constant 0 : i32
    %dma_wait3A_85 = tpu.memref_slice %arg4[%add3A_77, %dma_wait3A_84] : memref<8192x1280xf32, #tpu.memory_space<hbm>> -> memref<32x1280xf32, #tpu.memory_space<hbm>>
    tpu.wait_dma2 semaphore(%arg11 : memref<!tpu.dma_semaphore, #tpu.memory_space<semaphore_mem>>) src(%arg7 : memref<32x1280xf32, #tpu.memory_space<vmem>>) dst(%dma_wait3A_85 : memref<32x1280xf32, #tpu.memory_space<hbm>>)
    %dma_start3A_86 = arith.constant 160 : i32
    %dma_start3A_87 = tpu.memref_slice %arg5[%dma_start3A_86] : memref<256xi32, #tpu.memory_space<vmem>> -> memref<32xi32, #tpu.memory_space<vmem>>
    %dma_start3A_88 = arith.constant 0 : i32
    %dma_start3A_89 = arith.constant 0 : i32
    %dma_start3A_90 = tpu.memref_slice %arg2[%dma_start3A_88, %dma_start3A_89] : memref<8192x1280xf32, #tpu.memory_space<hbm>> -> memref<8192x1280xf32, #tpu.memory_space<hbm>>
    tpu.enqueue_indirect_dma source(%dma_start3A_90 : memref<8192x1280xf32, #tpu.memory_space<hbm>>) target(%arg7 : memref<32x1280xf32, #tpu.memory_space<vmem>>) offsets(%dma_start3A_87 : memref<32xi32, #tpu.memory_space<vmem>>) semaphore(%arg9 : memref<!tpu.dma_semaphore, #tpu.memory_space<semaphore_mem>>)
    %dma_wait3A_91 = arith.constant 128 : i32
    %dma_wait3A_92 = tpu.memref_slice %arg5[%dma_wait3A_91] : memref<256xi32, #tpu.memory_space<vmem>> -> memref<32xi32, #tpu.memory_space<vmem>>
    %dma_wait3A_93 = arith.constant 0 : i32
    %dma_wait3A_94 = arith.constant 0 : i32
    %dma_wait3A_95 = tpu.memref_slice %arg2[%dma_wait3A_93, %dma_wait3A_94] : memref<8192x1280xf32, #tpu.memory_space<hbm>> -> memref<8192x1280xf32, #tpu.memory_space<hbm>>
    tpu.wait_indirect_dma semaphore(%arg8 : memref<!tpu.dma_semaphore, #tpu.memory_space<semaphore_mem>>) src(%dma_wait3A_95 : memref<8192x1280xf32, #tpu.memory_space<hbm>>) dst(%arg6 : memref<32x1280xf32, #tpu.memory_space<vmem>>)
    %add3A_96 = arith.constant 128 : i32
    %add3A_97 = arith.addi %mul3A_2, %add3A_96 : i32
    %dma_start3A_98 = arith.constant 0 : i32
    %dma_start3A_99 = tpu.memref_slice %arg4[%add3A_97, %dma_start3A_98] : memref<8192x1280xf32, #tpu.memory_space<hbm>> -> memref<32x1280xf32, #tpu.memory_space<hbm>>
    %dma_start3A_100 = arith.constant 0 : i32
    %dma_start3A_101 = tpu.memref_slice %arg4[%add3A_97, %dma_start3A_100] : memref<8192x1280xf32, #tpu.memory_space<hbm>> -> memref<32x1280xf32, #tpu.memory_space<hbm>>
    tpu.enqueue_dma source(%arg6 : memref<32x1280xf32, #tpu.memory_space<vmem>>) target(%dma_start3A_101 : memref<32x1280xf32, #tpu.memory_space<hbm>>) target_semaphore(%arg10 : memref<!tpu.dma_semaphore, #tpu.memory_space<semaphore_mem>>)
    %dma_wait3A_102 = arith.constant 0 : i32
    %dma_wait3A_103 = tpu.memref_slice %arg4[%add3A_97, %dma_wait3A_102] : memref<8192x1280xf32, #tpu.memory_space<hbm>> -> memref<32x1280xf32, #tpu.memory_space<hbm>>
    %dma_wait3A_104 = arith.constant 0 : i32
    %dma_wait3A_105 = tpu.memref_slice %arg4[%add3A_97, %dma_wait3A_104] : memref<8192x1280xf32, #tpu.memory_space<hbm>> -> memref<32x1280xf32, #tpu.memory_space<hbm>>
    tpu.wait_dma2 semaphore(%arg10 : memref<!tpu.dma_semaphore, #tpu.memory_space<semaphore_mem>>) src(%arg6 : memref<32x1280xf32, #tpu.memory_space<vmem>>) dst(%dma_wait3A_105 : memref<32x1280xf32, #tpu.memory_space<hbm>>)
    %dma_start3A_106 = arith.constant 192 : i32
    %dma_start3A_107 = tpu.memref_slice %arg5[%dma_start3A_106] : memref<256xi32, #tpu.memory_space<vmem>> -> memref<32xi32, #tpu.memory_space<vmem>>
    %dma_start3A_108 = arith.constant 0 : i32
    %dma_start3A_109 = arith.constant 0 : i32
    %dma_start3A_110 = tpu.memref_slice %arg2[%dma_start3A_108, %dma_start3A_109] : memref<8192x1280xf32, #tpu.memory_space<hbm>> -> memref<8192x1280xf32, #tpu.memory_space<hbm>>
    tpu.enqueue_indirect_dma source(%dma_start3A_110 : memref<8192x1280xf32, #tpu.memory_space<hbm>>) target(%arg6 : memref<32x1280xf32, #tpu.memory_space<vmem>>) offsets(%dma_start3A_107 : memref<32xi32, #tpu.memory_space<vmem>>) semaphore(%arg8 : memref<!tpu.dma_semaphore, #tpu.memory_space<semaphore_mem>>)
    %dma_wait3A_111 = arith.constant 160 : i32
    %dma_wait3A_112 = tpu.memref_slice %arg5[%dma_wait3A_111] : memref<256xi32, #tpu.memory_space<vmem>> -> memref<32xi32, #tpu.memory_space<vmem>>
    %dma_wait3A_113 = arith.constant 0 : i32
    %dma_wait3A_114 = arith.constant 0 : i32
    %dma_wait3A_115 = tpu.memref_slice %arg2[%dma_wait3A_113, %dma_wait3A_114] : memref<8192x1280xf32, #tpu.memory_space<hbm>> -> memref<8192x1280xf32, #tpu.memory_space<hbm>>
    tpu.wait_indirect_dma semaphore(%arg9 : memref<!tpu.dma_semaphore, #tpu.memory_space<semaphore_mem>>) src(%dma_wait3A_115 : memref<8192x1280xf32, #tpu.memory_space<hbm>>) dst(%arg7 : memref<32x1280xf32, #tpu.memory_space<vmem>>)
    %add3A_116 = arith.constant 160 : i32
    %add3A_117 = arith.addi %mul3A_2, %add3A_116 : i32
    %dma_start3A_118 = arith.constant 0 : i32
    %dma_start3A_119 = tpu.memref_slice %arg4[%add3A_117, %dma_start3A_118] : memref<8192x1280xf32, #tpu.memory_space<hbm>> -> memref<32x1280xf32, #tpu.memory_space<hbm>>
    %dma_start3A_120 = arith.constant 0 : i32
    %dma_start3A_121 = tpu.memref_slice %arg4[%add3A_117, %dma_start3A_120] : memref<8192x1280xf32, #tpu.memory_space<hbm>> -> memref<32x1280xf32, #tpu.memory_space<hbm>>
    tpu.enqueue_dma source(%arg7 : memref<32x1280xf32, #tpu.memory_space<vmem>>) target(%dma_start3A_121 : memref<32x1280xf32, #tpu.memory_space<hbm>>) target_semaphore(%arg11 : memref<!tpu.dma_semaphore, #tpu.memory_space<semaphore_mem>>)
    %dma_wait3A_122 = arith.constant 0 : i32
    %dma_wait3A_123 = tpu.memref_slice %arg4[%add3A_117, %dma_wait3A_122] : memref<8192x1280xf32, #tpu.memory_space<hbm>> -> memref<32x1280xf32, #tpu.memory_space<hbm>>
    %dma_wait3A_124 = arith.constant 0 : i32
    %dma_wait3A_125 = tpu.memref_slice %arg4[%add3A_117, %dma_wait3A_124] : memref<8192x1280xf32, #tpu.memory_space<hbm>> -> memref<32x1280xf32, #tpu.memory_space<hbm>>
    tpu.wait_dma2 semaphore(%arg11 : memref<!tpu.dma_semaphore, #tpu.memory_space<semaphore_mem>>) src(%arg7 : memref<32x1280xf32, #tpu.memory_space<vmem>>) dst(%dma_wait3A_125 : memref<32x1280xf32, #tpu.memory_space<hbm>>)
    %dma_start3A_126 = arith.constant 224 : i32
    %dma_start3A_127 = tpu.memref_slice %arg5[%dma_start3A_126] : memref<256xi32, #tpu.memory_space<vmem>> -> memref<32xi32, #tpu.memory_space<vmem>>
    %dma_start3A_128 = arith.constant 0 : i32
    %dma_start3A_129 = arith.constant 0 : i32
    %dma_start3A_130 = tpu.memref_slice %arg2[%dma_start3A_128, %dma_start3A_129] : memref<8192x1280xf32, #tpu.memory_space<hbm>> -> memref<8192x1280xf32, #tpu.memory_space<hbm>>
    tpu.enqueue_indirect_dma source(%dma_start3A_130 : memref<8192x1280xf32, #tpu.memory_space<hbm>>) target(%arg7 : memref<32x1280xf32, #tpu.memory_space<vmem>>) offsets(%dma_start3A_127 : memref<32xi32, #tpu.memory_space<vmem>>) semaphore(%arg9 : memref<!tpu.dma_semaphore, #tpu.memory_space<semaphore_mem>>)
    %dma_wait3A_131 = arith.constant 192 : i32
    %dma_wait3A_132 = tpu.memref_slice %arg5[%dma_wait3A_131] : memref<256xi32, #tpu.memory_space<vmem>> -> memref<32xi32, #tpu.memory_space<vmem>>
    %dma_wait3A_133 = arith.constant 0 : i32
    %dma_wait3A_134 = arith.constant 0 : i32
    %dma_wait3A_135 = tpu.memref_slice %arg2[%dma_wait3A_133, %dma_wait3A_134] : memref<8192x1280xf32, #tpu.memory_space<hbm>> -> memref<8192x1280xf32, #tpu.memory_space<hbm>>
    tpu.wait_indirect_dma semaphore(%arg8 : memref<!tpu.dma_semaphore, #tpu.memory_space<semaphore_mem>>) src(%dma_wait3A_135 : memref<8192x1280xf32, #tpu.memory_space<hbm>>) dst(%arg6 : memref<32x1280xf32, #tpu.memory_space<vmem>>)
    %add3A_136 = arith.constant 192 : i32
    %add3A_137 = arith.addi %mul3A_2, %add3A_136 : i32
    %dma_start3A_138 = arith.constant 0 : i32
    %dma_start3A_139 = tpu.memref_slice %arg4[%add3A_137, %dma_start3A_138] : memref<8192x1280xf32, #tpu.memory_space<hbm>> -> memref<32x1280xf32, #tpu.memory_space<hbm>>
    %dma_start3A_140 = arith.constant 0 : i32
    %dma_start3A_141 = tpu.memref_slice %arg4[%add3A_137, %dma_start3A_140] : memref<8192x1280xf32, #tpu.memory_space<hbm>> -> memref<32x1280xf32, #tpu.memory_space<hbm>>
    tpu.enqueue_dma source(%arg6 : memref<32x1280xf32, #tpu.memory_space<vmem>>) target(%dma_start3A_141 : memref<32x1280xf32, #tpu.memory_space<hbm>>) target_semaphore(%arg10 : memref<!tpu.dma_semaphore, #tpu.memory_space<semaphore_mem>>)
    %dma_wait3A_142 = arith.constant 224 : i32
    %dma_wait3A_143 = tpu.memref_slice %arg5[%dma_wait3A_142] : memref<256xi32, #tpu.memory_space<vmem>> -> memref<32xi32, #tpu.memory_space<vmem>>
    %dma_wait3A_144 = arith.constant 0 : i32
    %dma_wait3A_145 = arith.constant 0 : i32
    %dma_wait3A_146 = tpu.memref_slice %arg2[%dma_wait3A_144, %dma_wait3A_145] : memref<8192x1280xf32, #tpu.memory_space<hbm>> -> memref<8192x1280xf32, #tpu.memory_space<hbm>>
    tpu.wait_indirect_dma semaphore(%arg9 : memref<!tpu.dma_semaphore, #tpu.memory_space<semaphore_mem>>) src(%dma_wait3A_146 : memref<8192x1280xf32, #tpu.memory_space<hbm>>) dst(%arg7 : memref<32x1280xf32, #tpu.memory_space<vmem>>)
    %add3A_147 = arith.constant 224 : i32
    %add3A_148 = arith.addi %mul3A_2, %add3A_147 : i32
    %dma_start3A_149 = arith.constant 0 : i32
    %dma_start3A_150 = tpu.memref_slice %arg4[%add3A_148, %dma_start3A_149] : memref<8192x1280xf32, #tpu.memory_space<hbm>> -> memref<32x1280xf32, #tpu.memory_space<hbm>>
    %dma_start3A_151 = arith.constant 0 : i32
    %dma_start3A_152 = tpu.memref_slice %arg4[%add3A_148, %dma_start3A_151] : memref<8192x1280xf32, #tpu.memory_space<hbm>> -> memref<32x1280xf32, #tpu.memory_space<hbm>>
    tpu.enqueue_dma source(%arg7 : memref<32x1280xf32, #tpu.memory_space<vmem>>) target(%dma_start3A_152 : memref<32x1280xf32, #tpu.memory_space<hbm>>) target_semaphore(%arg11 : memref<!tpu.dma_semaphore, #tpu.memory_space<semaphore_mem>>)
    %dma_wait3A_153 = arith.constant 0 : i32
    %dma_wait3A_154 = tpu.memref_slice %arg4[%add3A_137, %dma_wait3A_153] : memref<8192x1280xf32, #tpu.memory_space<hbm>> -> memref<32x1280xf32, #tpu.memory_space<hbm>>
    %dma_wait3A_155 = arith.constant 0 : i32
    %dma_wait3A_156 = tpu.memref_slice %arg4[%add3A_137, %dma_wait3A_155] : memref<8192x1280xf32, #tpu.memory_space<hbm>> -> memref<32x1280xf32, #tpu.memory_space<hbm>>
    tpu.wait_dma2 semaphore(%arg10 : memref<!tpu.dma_semaphore, #tpu.memory_space<semaphore_mem>>) src(%arg6 : memref<32x1280xf32, #tpu.memory_space<vmem>>) dst(%dma_wait3A_156 : memref<32x1280xf32, #tpu.memory_space<hbm>>)
    %dma_wait3A_157 = arith.constant 0 : i32
    %dma_wait3A_158 = tpu.memref_slice %arg4[%add3A_148, %dma_wait3A_157] : memref<8192x1280xf32, #tpu.memory_space<hbm>> -> memref<32x1280xf32, #tpu.memory_space<hbm>>
    %dma_wait3A_159 = arith.constant 0 : i32
    %dma_wait3A_160 = tpu.memref_slice %arg4[%add3A_148, %dma_wait3A_159] : memref<8192x1280xf32, #tpu.memory_space<hbm>> -> memref<32x1280xf32, #tpu.memory_space<hbm>>
    tpu.wait_dma2 semaphore(%arg11 : memref<!tpu.dma_semaphore, #tpu.memory_space<semaphore_mem>>) src(%arg7 : memref<32x1280xf32, #tpu.memory_space<vmem>>) dst(%dma_wait3A_160 : memref<32x1280xf32, #tpu.memory_space<hbm>>)
    return
  }
}

</mosaic_0001>

<sc_bundles>
// kernel: kernel.3.cloned.1.call-start
scs
__scs_entry_jumppad:
0x0: {  	(pc) =	sbr.rel $0x88, $3  }
0x1: {  	(tag) =	ssettag $0x0;
	lr =	simm.s32 $0x1  }
0x2: {  	[smem:$0x3F9F] =	sst lr;
	_ =	strace $0xD0000000  }
0x3: {  	_ = 	snop  }
0x4: {  	_ = 	snop  }
0x5: {  	_ = 	snop  }
0x6: {  	_ = 	snop  }
0x7: {  	_ = 	snop  }
__scs_overlays_trampoline_lowered:
0x8: {  	[smem:$0x3FAE] =	sst s0  }
0x9: {  	[smem:$0x3FAF] =	sst s1  }
0xa: {  	[smem:$0x3FB0] =	sst s2  }
0xb: {  	[smem:$0x3FB1] =	sst s3  }
0xc: {  	[smem:$0x3FB2] =	sst s4  }
0xd: {  	[smem:$0x3FB3] =	sst s5  }
0xe: {  	[smem:$0x3FB4] =	sst s6  }
0xf: {  	[smem:$0x3FB5] =	sst s7  }
0x10: {  	[smem:$0x3FB6] =	sst s8  }
0x11: {  	[smem:$0x3FB7] =	sst s9;
	s0 =	simm.s32 @!p0 $0x0  }
0x12: {  	s1 =	sld [smem:$0x3F9D];
	s0 =	simm.s32 @p0 $0x1  }
0x13: {  	[smem:$0x3FB8] =	sst s0;
	s0 =	simm.s32 @!p1 $0x0  }
0x14: {  	s2 =	sld [smem:$0x3F9C];
	s0 =	simm.s32 @p1 $0x1  }
0x15: {  	[smem:$0x3FB9] =	sst s0;
	s0 =	simm.s32 @!p2 $0x0  }
0x16: {  	s3 =	sld [smem:$0x3FDB];
	s0 =	simm.s32 @p2 $0x1  }
0x17: {  	s4 =	simm.s32 $0x1BF5;
	[smem:$0x3FBB] =	sst s0  }
0x18: {  	s0 =	sld [smem:$0x3F9E];
	_ =	swait.ge [sflag:s4], $0x0  }
0x19: {  	s7 =	sld [smem:$0x3F9F]  }
0x1a: {  	s8 =	sadd.s32 $0xFFFFE003, lr  }
0x1b: {  	s9 =	sadd.s32 $0xFFFFFEF7, lr;
	s5 =	simm.s32 $0xFFFFFFFF;
	p2 =	slt.u32 s8, $0xFFFFF086  }
0x1c: {  	p1 =	slt.u32 s9, $0xF7A;
	s5 =	simm.s32 @!p2 $0x0  }
0x1d: {  	s5 =	simm.s32 @p1 $0x1;
	p0 =	seq.s32 s7, s2  }
0x1e: {  	s7 =	smul.u32 @!p0 $0xF7A, s2;
	p2 =	seq.s32 @!p0 s5, $0x0  }
0x1f: {  	s9 =	smul.u32 $0xF7A, s1;
	s8 =	simm.s32 @!p0 $0x1BF5;
	p2 =	por !p2, p0  }
0x20: {  	[sflag:s8] =	ssyncset.s32 @!p0 $0xFFFFF086;
	s6 =	sadd.s32 @!p0 s3, s7;
	s7 =	simm.s32 @!p0 $0x108  }
0x21: {  	s3 =	sadd.s32 s3, s9;
	s6 =	sadd.s32 @!p0 $0x88, s6;
	s7 =	simm.s32 @p2 $0x1082  }
0x22: {  	[simem:s7], [sflag:s8] =	dma.local @!p0 [hbm:s6], $0xF7A  }
0x23: {  	s9 =	sor.u32 $0xD0000000, s2;
	s6 =	simm.s32 $0x108;
	_ =	swait.ge @!p0 [sflag:s8], $0x0  }
0x24: {  	s3 =	sadd.s32 $0x88, s3;
	s6 =	simm.s32 @!p1 $0x1082;
	[sflag:s4] =	ssyncset.s32 $0xFFFFF086  }
0x25: {  	[simem:s6], [sflag:s4] =	dma.local [hbm:s3], $0xF7A  }
0x26: {  	[smem:$0x3F9F] =	sst s1;
	(tag) =	ssettag s2;
	_ =	strace s9  }
0x27: {  	s1 =	sld [smem:$0x3FAF]  }
0x28: {  	s2 =	sld [smem:$0x3FB0]  }
0x29: {  	s4 =	sld [smem:$0x3FB2]  }
0x2a: {  	p0 =	seq.s32 s5, $0x0;
	s5 =	sld [smem:$0x3FB3]  }
0x2b: {  	s6 =	sld [smem:$0x3FB4]  }
0x2c: {  	s7 =	sld [smem:$0x3FB5]  }
0x2d: {  	s3 =	simm.s32 $0x108;
	s8 =	sld [smem:$0x3FB6]  }
0x2e: {  	s3 =	simm.s32 @!p0 $0x1082;
	s9 =	sld [smem:$0x3FB7]  }
0x2f: {  	lr =	sadd.s32 s0, s3;
	s0 =	sld [smem:$0x3FAE]  }
0x30: {  	s3 =	sld [smem:$0x3FB1]  }
0x31: {  	[smem:$0x3FBA] =	sst s10  }
0x32: {  	s10 =	sld [smem:$0x3FB8];
	_ =	sdelay $0x3  }
0x33: {  	p0 =	seq.s32 s10, $0x1;
	s10 =	sld [smem:$0x3FBA];
	_ =	sdelay $0x3  }
0x34: {  	[smem:$0x3FBA] =	sst s10  }
0x35: {  	s10 =	sld [smem:$0x3FB9];
	_ =	sdelay $0x3  }
0x36: {  	p1 =	seq.s32 s10, $0x1;
	s10 =	sld [smem:$0x3FBA];
	_ =	sdelay $0x3  }
0x37: {  	[smem:$0x3FBA] =	sst s10  }
0x38: {  	s10 =	sld [smem:$0x3FBB]  }
0x39: {  	_ = 	snop;
	(pc) =	sbr.ind lr, $3  }
0x3a: {  	_ = 	snop  }
0x3b: {  	_ = 	snop  }
0x3c: {  	p2 =	seq.s32 s10, $0x1;
	s10 =	sld [smem:$0x3FBA]  }
0x3d: {  	_ =	shalt  }
0x3e: {  	_ =	shalt  }
0x3f: {  	_ =	shalt  }
0x40: {  	_ =	shalt  }
0x41: {  	_ =	shalt  }
0x42: {  	_ =	shalt  }
0x43: {  	_ =	shalt  }
0x44: {  	_ =	shalt  }
0x45: {  	_ =	shalt  }
0x46: {  	_ =	shalt  }
0x47: {  	_ =	shalt  }
0x48: {  	_ =	shalt  }
0x49: {  	_ =	shalt  }
0x4a: {  	_ =	shalt  }
0x4b: {  	_ =	shalt  }
0x4c: {  	_ =	shalt  }
0x4d: {  	_ =	shalt  }
0x4e: {  	_ =	shalt  }
0x4f: {  	_ =	shalt  }
0x50: {  	_ =	shalt  }
0x51: {  	_ =	shalt  }
0x52: {  	_ =	shalt  }
0x53: {  	_ =	shalt  }
0x54: {  	_ =	shalt  }
0x55: {  	_ =	shalt  }
0x56: {  	_ =	shalt  }
0x57: {  	_ =	shalt  }
0x58: {  	_ =	shalt  }
0x59: {  	_ =	shalt  }
0x5a: {  	_ =	shalt  }
0x5b: {  	_ =	shalt  }
0x5c: {  	_ =	shalt  }
0x5d: {  	_ =	shalt  }
0x5e: {  	_ =	shalt  }
0x5f: {  	_ =	shalt  }
0x60: {  	_ =	shalt  }
0x61: {  	_ =	shalt  }
0x62: {  	_ =	shalt  }
0x63: {  	_ =	shalt  }
0x64: {  	_ =	shalt  }
0x65: {  	_ =	shalt  }
0x66: {  	_ =	shalt  }
0x67: {  	_ =	shalt  }
0x68: {  	_ =	shalt  }
0x69: {  	_ =	shalt  }
0x6a: {  	_ =	shalt  }
0x6b: {  	_ =	shalt  }
0x6c: {  	_ =	shalt  }
0x6d: {  	_ =	shalt  }
0x6e: {  	_ =	shalt  }
0x6f: {  	_ =	shalt  }
0x70: {  	_ =	shalt  }
0x71: {  	_ =	shalt  }
0x72: {  	_ =	shalt  }
0x73: {  	_ =	shalt  }
0x74: {  	_ =	shalt  }
0x75: {  	_ =	shalt  }
0x76: {  	_ =	shalt  }
0x77: {  	_ =	shalt  }
0x78: {  	_ =	shalt  }
0x79: {  	_ =	shalt  }
0x7a: {  	_ =	shalt  }
0x7b: {  	_ =	shalt  }
0x7c: {  	_ =	shalt  }
0x7d: {  	_ =	shalt  }
0x7e: {  	_ =	shalt  }
0x7f: {  	_ =	shalt  }
0x80: {  	_ =	shalt  }
0x81: {  	_ =	shalt  }
0x82: {  	_ =	shalt  }
0x83: {  	_ =	shalt  }
0x84: {  	_ =	shalt  }
0x85: {  	_ =	shalt  }
0x86: {  	_ =	shalt  }
0x87: {  	_ =	shalt  }
.Lfunc_end0:
.L_simem_size_0:
called_computation_lowered:
.L_overlay_start_0:
0x88: {  	s2 =	sld [smem:$0x3FD9]  }
0x89: {  	s3 =	sld [smem:$0x3FFE];
	_ =	sdelay $0x1  }
0x8a: {  	s1 =	srdreg.scid  }
0x8b: {  	s0 =	sand.u32 $0x1, s1  }
0x8c: {  	s15 =	sshll.u32 s0, $0xA;
	s2 =	sadd.s32 s3, s2  }
0x8d: {  	s2 =	sadd.s32 s2, s15  }
0x8e: {  	[smem:$0x3FC6] =	sst s2  }
0x8f: {  	_ = 	snop  }
0x90: {  	s2 =	sld [smem:$0x3FD0];
	_ =	sdelay $0x2  }
0x91: {  	s4 =	simm.s32 $0xA;
	s5 =	simm.s32 $0x10;
	s16 =	sld [smem:$0x3FC8]  }
0x92: {  	[smem:s5], [sflag:s4] =	dma.local [hbm:s2], $0x1  }
0x93: {  	_ =	swait.eq [sflag:s4], $0x1  }
0x94: {  	[sflag:s4] =	ssyncset.done $0x0  }
0x95: {  	s17 =	sld [smem:$0x10];
	[sflag:s4] =	ssyncadd.s32 $0xFFFFFFFF  }
0x96: {  	s18 =	sld [smem:$0x11];
	(tm) =	ssettm $0x1  }
0x97: {  	s19 =	sld [smem:$0x3FFB];
	_ =	sdelay $0x3  }
0x98: {  	_ =	strace s19  }
0x99: {  	s5 =	sld [smem:$0x3FFC];
	_ =	sdelay $0x3  }
0x9a: {  	_ =	strace s5  }
0x9b: {  	s5 =	sld [smem:$0x3FFD];
	_ =	sdelay $0x3  }
0x9c: {  	_ =	strace s5  }
0x9d: {  	_ =	strace $0x8FFFFFFF  }
0x9e: {  	s20 =	sld [smem:$0x3FDB];
	_ =	sdelay $0x1  }
0x9f: {  	s6 =	simm.s32 $_scs_section_size  }
0xa0: {  	s7 =	simm.s32 $_size__tile_overlayer_lowered;
	s8 =	simm.s32 $_tile_overlayer_lowered  }
0xa1: {  	s23 =	simm.s32 $0x1BFF;
	s22 =	sshll.u32 s8, $0x1;
	s5 =	sadd.s32 s6, s20  }
0xa2: {  	s9 =	simm.s32 $0x0;
	s21 =	sshll.u32 s7, $0x1;
	s7 =	sadd.s32 s22, s5  }
0xa3: {  	[timem:s9], [sflag:s23] =	dma.local [hbm:s7], s21  }
0xa4: {  	_ =	swait.ge [sflag:s23], s21  }
0xa5: {  	s6 =	ssub.s32 $0x0, s21;
	[sflag:s23] =	ssyncset.done $0x0  }
0xa6: {  	[sflag:s23] =	ssyncadd.s32 s6;
	_ =	sdelay $0x1  }
0xa7: {  	s24 =	simm.s32 $0x1B8B  }
0xa8: {  	_ =	swait.ge [sflag:s24], $0x1  }
0xa9: {  	[sflag:s24] =	ssyncset.done $0x0  }
0xaa: {  	s25 =	simm.s32 $0x1B8E;
	[sflag:s24] =	ssyncadd.s32 $0xFFFFFFFF  }
0xab: {  	s26 =	simm.s32 $execute0_lowered;
	[smem:$0x3FD2] =	sst s25  }
0xac: {  	s6 =	sshll.u32 s26, $0x1;
	_ =	strace $0x80000046;
	[dreg:$0x1] =	wrdreg $0xFFFFFFFF  }
0xad: {  	s28 =	simm.s32 $_size_execute0_lowered;
	s5 =	sadd.s32 s5, s6;
	[dreg:$0x0] =	wrdreg $0x0  }
0xae: {  	s6 =	sshll.u32 s28, $0x1;
	[dreg:$0x2] =	wrdreg s5  }
0xaf: {  	[dreg:$0x3] =	wrdreg s6  }
0xb0: {  	[dreg:$0x4] =	wrdreg $0xC0  }
0xb1: {  	_ =	task [dreg:s9], $0x5FFFF  }
0xb2: {  	[dreg:$0x1] =	wrdreg $0xFFFFFFFF  }
0xb3: {  	[dreg:$0x0] =	wrdreg $0x60  }
0xb4: {  	[dreg:$0x2] =	wrdreg s16  }
0xb5: {  	[dreg:$0x3] =	wrdreg s17  }
0xb6: {  	[dreg:$0x4] =	wrdreg s18  }
0xb7: {  	[dreg:$0x5] =	wrdreg $0x9  }
0xb8: {  	_ =	task.clear_ibuf [dreg:s9], $0x6FFFF;
	_ =	strace $0x90000046  }
0xb9: {  	s29 =	simm.s32 $0x9;
	_ =	strace $0x80000048  }
0xba: {  	_ =	swait.ge [sflag:s29], $0x1  }
0xbb: {  	[sflag:s29] =	ssyncadd.s32 $0xFFFFFFFF  }
0xbc: {  	_ =	strace $0x90000048  }
0xbd: {  	_ =	sfence  }
0xbe: {  	s30 =	sld [smem:$0x0];
	_ =	sdelay $0x2  }
0xbf: {  	s31 =	sshll.u32 s1, $0xD;
	s1 =	sshrl.u32 s1, $0x2  }
0xc0: {  	s3 =	sand.u32 $0x4000, s31;
	s1 =	sadd.s32 s1, s30  }
0xc1: {  	s0 =	sor.u32 s3, s0;
	s1 =	sshll.u32 s1, $0x11  }
0xc2: {  	s0 =	sor.u32 s1, s0  }
0xc3: {  	s0 =	sadd.s32 $0x8F2B, s0  }
0xc4: {  	[sflag:s0] =	ssyncadd.remote.s32 $0x1  }
0xc5: {  	_ =	sfence.sel $0xFFFF  }
0xc6: {  	[dreg:$0x0] =	wrdreg $0xFFFFFFFF;
	(pc) =	sbr.abs _section_cstart, $3  }
0xc7: {  	[dreg:$0x1] =	wrdreg $0xFFFFFFFF  }
0xc8: {  	_ =	task.clear_ibuf [dreg:s9], $0x2FFFF;
	_ =	strace $0x9FFFFFFF  }
0xc9: {  	(tm) =	ssettm $0x7FFFFFFF  }
tec
execute0_lowered:
.L_overlay_start_1:
0x0: {  	(tag) =	ssettag $0x1  }
0x1: {  	s1 =	rddreg [dreg:$0x0]  }
0x2: {  	s0 =	srdreg.scid;
	s2 =	rddreg [dreg:$0x1]  }
0x3: {  	s3 =	stileid.u32;
	s5 =	rddreg [dreg:$0x2];
	s0 =	sand.u32 $0x1, s0  }
0x4: {  	s11 =	simm.s32 $0xA100;
	s3 =	sshll.u32 s3, $0x6;
	s4 =	sshll.u32 s0, $0x5  }
0x5: {  	s29 =	simm.s32 $0x1;
	s30 =	simm.s32 $0x3;
	s4 =	sor.u32 s4, s3  }
0x6: {  	s31 =	simm.s32 $0x2;
	s3 =	simm.s32 $0x0;
	s6 =	smul.u32 $0x500, s4  }
0x7: {  	s8 =	sadd.s32 $0x400, s1;
	[smem:$0x7FF] =	sst s3;
	s7 =	smul.u32 $0x2800, s4  }
0x8: {  	s0 =	ssub.s32 $0x2, s0;
	s2 =	sadd.s32 s2, s4;
	_ =	strace $0x80000047  }
0x9: {  	[dreg:$0x4] =	wrdreg s2;
	s6 =	sadd.s32 s5, s6;
	s19 =	sshrl.u32 s7, $0x3  }
0xa: {  	[dreg:$0xc] =	wrdreg s6;
	s20 =	sadd.s32 $0x1400, s6;
	s4 =	sadd.s32 s5, s19  }
0xb: {  	s22 =	sshrl.u32 s0, $0x1;
	[dreg:$0x5] =	wrdreg s20;
	s21 =	sadd.s32 $0x2800, s4  }
0xc: {  	s0 =	ssub.s32 s0, s22;
	s23 =	sadd.s32 $0x3C00, s4;
	[dreg:$0x6] =	wrdreg s21  }
0xd: {  	s9 =	smax.u32 s0, $0x1;
	s24 =	sadd.s32 $0x5000, s4;
	[dreg:$0x7] =	wrdreg s23  }
0xe: {  	s0 =	simm.s32 $0x4;
	s25 =	sadd.s32 $0x6400, s4;
	[dreg:$0x8] =	wrdreg s24  }
0xf: {  	v2 =	vlaneseq.u32;
	s2 =	simm.s32 $0x100;
	s26 =	sadd.s32 $0x7800, s4;
	[dreg:$0x9] =	wrdreg s25  }
0x10: {  	vm0 =	vmmov $0xffff;
	v1 =	vshrl.u32 v2, $0x3;
	s7 =	sadd.s32 $0x300, s1;
	s28 =	sadd.s32 $0x8C00, s4;
	[dreg:$0xa] =	wrdreg s26  }
0x11: {  	v0 =	vand.u32 $0x7, v2;
	v2 =	vor.u32 $0x8, v2;
	v1 =	vmul.u32 $0x8, v1;
	s5 =	sadd.s32 $0x100, s1;
	s6 =	sadd.s32 $0x200, s1;
	[dreg:$0xb] =	wrdreg s28  }
.LBB2_1:
0x12: {  	s4 =	rddreg [dreg:$0x4];
	s14 =	simm.s32 $0x5  }
0x13: {  	[tilespmem:s3], [sflag:$0x5] =	stream.linear.gather [hbm4b:s4+s3], $0x100, $0x38;
	[tilespmem:$0x14100] =	vst v63  }
0x14: {  	_ =	swait.ge [sflag:s14], $0x100  }
0x15: {  	[sflag:s14] =	ssyncset.done $0x0  }
0x16: {  	[sflag:s14] =	ssyncadd.s32 $0xFFFFFF00  }
0x17: {  	v3 =	vld [tilespmem:$0x0];
	_ =	sdelay $0x4  }
0x18: {  	v4 =	vshrl.u32 v3, $0x3  }
0x19: {  	v4 =	vmul.u32 $0x50, v4  }
0x1a: {  	v3 =	vand.u32 $0x7, v3  }
0x1b: {  	v3 =	vor.u32 v3, v4  }
0x1c: {  	v4 =	vperm.xlane v3, v0;
	_ =	sdelay $0x1  }
0x1d: {  	v4 =	vadd.s32 v1, v4;
	_ =	sdelay $0x4  }
0x1e: {  	[tilespmem:s2], [sflag:$0x1] =	stream.indirect_vreg.gather [hbm4b:s1+s3], $0x80, v4, vm0, $0xb8;
	[tilespmem:$0x14100] =	vst v63  }
0x1f: {  	s15 =	simm.s32 $0x900  }
0x20: {  	[tilespmem:s15], [sflag:$0x1] =	stream.indirect_vreg.gather [hbm4b:s5+s3], $0x80, v4, vm0, $0xb8;
	[tilespmem:$0x14100] =	vst v63  }
0x21: {  	s16 =	simm.s32 $0x1100;
	v3 =	vperm.xlane v3, v2  }
0x22: {  	[tilespmem:s16], [sflag:$0x1] =	stream.indirect_vreg.gather [hbm4b:s6+s3], $0x80, v4, vm0, $0xb8;
	[tilespmem:$0x14100] =	vst v63  }
0x23: {  	s17 =	simm.s32 $0x1900;
	v3 =	vadd.s32 v1, v3  }
0x24: {  	[tilespmem:s17], [sflag:$0x1] =	stream.indirect_vreg.gather [hbm4b:s7+s3], $0x80, v4, vm0, $0xb8;
	[tilespmem:$0x14100] =	vst v63  }
0x25: {  	s18 =	simm.s32 $0x2100  }
0x26: {  	[tilespmem:s18], [sflag:$0x1] =	stream.indirect_vreg.gather [hbm4b:s8+s3], $0x80, v4, vm0, $0xb8;
	[tilespmem:$0x14100] =	vst v63  }
0x27: {  	s19 =	simm.s32 $0x2900  }
0x28: {  	[tilespmem:s19], [sflag:$0x1] =	stream.indirect_vreg.gather [hbm4b:s1+s3], $0x80, v3, vm0, $0xb8;
	[tilespmem:$0x14100] =	vst v63  }
0x29: {  	s20 =	simm.s32 $0x3100  }
0x2a: {  	[tilespmem:s20], [sflag:$0x1] =	stream.indirect_vreg.gather [hbm4b:s5+s3], $0x80, v3, vm0, $0xb8;
	[tilespmem:$0x14100] =	vst v63  }
0x2b: {  	s21 =	simm.s32 $0x3900  }
0x2c: {  	[tilespmem:s21], [sflag:$0x1] =	stream.indirect_vreg.gather [hbm4b:s6+s3], $0x80, v3, vm0, $0xb8;
	[tilespmem:$0x14100] =	vst v63  }
0x2d: {  	s22 =	simm.s32 $0x4100  }
0x2e: {  	[tilespmem:s22], [sflag:$0x1] =	stream.indirect_vreg.gather [hbm4b:s7+s3], $0x80, v3, vm0, $0xb8;
	[tilespmem:$0x14100] =	vst v63  }
0x2f: {  	s24 =	simm.s32 $0x4900  }
0x30: {  	[tilespmem:s24], [sflag:$0x1] =	stream.indirect_vreg.gather [hbm4b:s8+s3], $0x80, v3, vm0, $0xb8;
	[tilespmem:$0x14100] =	vst v63  }
0x31: {  	v3 =	vld [tilespmem:$0x10];
	_ =	sdelay $0x4  }
0x32: {  	v49 =	vshrl.u32 v3, $0x3  }
0x33: {  	v4 =	vmul.u32 $0x50, v49  }
0x34: {  	v3 =	vand.u32 $0x7, v3  }
0x35: {  	v3 =	vor.u32 v3, v4  }
0x36: {  	v4 =	vperm.xlane v3, v0;
	_ =	sdelay $0x1  }
0x37: {  	v4 =	vadd.s32 v1, v4;
	_ =	sdelay $0x3  }
0x38: {  	s26 =	simm.s32 $0x5100  }
0x39: {  	[tilespmem:s26], [sflag:$0x1] =	stream.indirect_vreg.gather [hbm4b:s1+s3], $0x80, v4, vm0, $0xb8;
	[tilespmem:$0x14100] =	vst v63  }
0x3a: {  	s28 =	simm.s32 $0x5900  }
0x3b: {  	[tilespmem:s28], [sflag:$0x1] =	stream.indirect_vreg.gather [hbm4b:s5+s3], $0x80, v4, vm0, $0xb8;
	[tilespmem:$0x14100] =	vst v63  }
0x3c: {  	s10 =	simm.s32 $0x6100;
	v3 =	vperm.xlane v3, v2  }
0x3d: {  	[tilespmem:s10], [sflag:$0x1] =	stream.indirect_vreg.gather [hbm4b:s6+s3], $0x80, v4, vm0, $0xb8;
	[tilespmem:$0x14100] =	vst v63  }
0x3e: {  	s17 =	simm.s32 $0x6900;
	v3 =	vadd.s32 v1, v3  }
0x3f: {  	[tilespmem:s17], [sflag:$0x1] =	stream.indirect_vreg.gather [hbm4b:s7+s3], $0x80, v4, vm0, $0xb8;
	[tilespmem:$0x14100] =	vst v63  }
0x40: {  	s18 =	simm.s32 $0x7100  }
0x41: {  	[tilespmem:s18], [sflag:$0x1] =	stream.indirect_vreg.gather [hbm4b:s8+s3], $0x80, v4, vm0, $0xb8;
	[tilespmem:$0x14100] =	vst v63  }
0x42: {  	s19 =	simm.s32 $0x7900  }
0x43: {  	[tilespmem:s19], [sflag:$0x1] =	stream.indirect_vreg.gather [hbm4b:s1+s3], $0x80, v3, vm0, $0xb8;
	[tilespmem:$0x14100] =	vst v63  }
0x44: {  	s20 =	simm.s32 $0x8100  }
0x45: {  	[tilespmem:s20], [sflag:$0x1] =	stream.indirect_vreg.gather [hbm4b:s5+s3], $0x80, v3, vm0, $0xb8;
	[tilespmem:$0x14100] =	vst v63  }
0x46: {  	s21 =	simm.s32 $0x8900  }
0x47: {  	[tilespmem:s21], [sflag:$0x1] =	stream.indirect_vreg.gather [hbm4b:s6+s3], $0x80, v3, vm0, $0xb8;
	[tilespmem:$0x14100] =	vst v63  }
0x48: {  	s22 =	simm.s32 $0x9100  }
0x49: {  	[tilespmem:s22], [sflag:$0x1] =	stream.indirect_vreg.gather [hbm4b:s7+s3], $0x80, v3, vm0, $0xb8;
	[tilespmem:$0x14100] =	vst v63  }
0x4a: {  	s10 =	simm.s32 $0x9900  }
0x4b: {  	[tilespmem:s10], [sflag:$0x1] =	stream.indirect_vreg.gather [hbm4b:s8+s3], $0x80, v3, vm0, $0xb8;
	[tilespmem:$0x14100] =	vst v63  }
0x4c: {  	v3 =	vld [tilespmem:$0x20];
	_ =	sdelay $0x4  }
0x4d: {  	v50 =	vshrl.u32 v3, $0x3  }
0x4e: {  	v4 =	vmul.u32 $0x50, v50  }
0x4f: {  	v3 =	vand.u32 $0x7, v3  }
0x50: {  	v3 =	vor.u32 v3, v4  }
0x51: {  	v4 =	vperm.xlane v3, v0;
	_ =	sdelay $0x1  }
0x52: {  	v4 =	vadd.s32 v1, v4;
	_ =	sdelay $0x4  }
0x53: {  	[tilespmem:s11], [sflag:$0x2] =	stream.indirect_vreg.gather [hbm4b:s1+s3], $0x80, v4, vm0, $0xb8;
	[tilespmem:$0x14100] =	vst v63  }
0x54: {  	s4 =	simm.s32 $0xA900  }
0x55: {  	[tilespmem:s4], [sflag:$0x2] =	stream.indirect_vreg.gather [hbm4b:s5+s3], $0x80, v4, vm0, $0xb8;
	[tilespmem:$0x14100] =	vst v63  }
0x56: {  	v3 =	vperm.xlane v3, v2;
	s4 =	simm.s32 $0xB100  }
0x57: {  	[tilespmem:s4], [sflag:$0x2] =	stream.indirect_vreg.gather [hbm4b:s6+s3], $0x80, v4, vm0, $0xb8;
	[tilespmem:$0x14100] =	vst v63  }
0x58: {  	v3 =	vadd.s32 v1, v3;
	s4 =	simm.s32 $0xB900  }
0x59: {  	[tilespmem:s4], [sflag:$0x2] =	stream.indirect_vreg.gather [hbm4b:s7+s3], $0x80, v4, vm0, $0xb8;
	[tilespmem:$0x14100] =	vst v63  }
0x5a: {  	s4 =	simm.s32 $0xC100  }
0x5b: {  	[tilespmem:s4], [sflag:$0x2] =	stream.indirect_vreg.gather [hbm4b:s8+s3], $0x80, v4, vm0, $0xb8;
	[tilespmem:$0x14100] =	vst v63  }
0x5c: {  	s4 =	simm.s32 $0xC900  }
0x5d: {  	[tilespmem:s4], [sflag:$0x2] =	stream.indirect_vreg.gather [hbm4b:s1+s3], $0x80, v3, vm0, $0xb8;
	[tilespmem:$0x14100] =	vst v63  }
0x5e: {  	s4 =	simm.s32 $0xD100  }
0x5f: {  	[tilespmem:s4], [sflag:$0x2] =	stream.indirect_vreg.gather [hbm4b:s5+s3], $0x80, v3, vm0, $0xb8;
	[tilespmem:$0x14100] =	vst v63  }
0x60: {  	s4 =	simm.s32 $0xD900  }
0x61: {  	[tilespmem:s4], [sflag:$0x2] =	stream.indirect_vreg.gather [hbm4b:s6+s3], $0x80, v3, vm0, $0xb8;
	[tilespmem:$0x14100] =	vst v63  }
0x62: {  	s4 =	simm.s32 $0xE100  }
0x63: {  	[tilespmem:s4], [sflag:$0x2] =	stream.indirect_vreg.gather [hbm4b:s7+s3], $0x80, v3, vm0, $0xb8;
	[tilespmem:$0x14100] =	vst v63  }
0x64: {  	s4 =	simm.s32 $0xE900  }
0x65: {  	[tilespmem:s4], [sflag:$0x2] =	stream.indirect_vreg.gather [hbm4b:s8+s3], $0x80, v3, vm0, $0xb8;
	[tilespmem:$0x14100] =	vst v63  }
0x66: {  	v3 =	vld [tilespmem:$0x30];
	_ =	sdelay $0x4  }
0x67: {  	v51 =	vshrl.u32 v3, $0x3  }
0x68: {  	v4 =	vmul.u32 $0x50, v51  }
0x69: {  	v3 =	vand.u32 $0x7, v3  }
0x6a: {  	v3 =	vor.u32 v3, v4  }
0x6b: {  	v4 =	vperm.xlane v3, v0;
	_ =	sdelay $0x1  }
0x6c: {  	v4 =	vadd.s32 v1, v4;
	_ =	sdelay $0x3  }
0x6d: {  	s4 =	simm.s32 $0xF100  }
0x6e: {  	[tilespmem:s4], [sflag:$0x2] =	stream.indirect_vreg.gather [hbm4b:s1+s3], $0x80, v4, vm0, $0xb8;
	[tilespmem:$0x14100] =	vst v63  }
0x6f: {  	s4 =	simm.s32 $0xF900  }
0x70: {  	[tilespmem:s4], [sflag:$0x2] =	stream.indirect_vreg.gather [hbm4b:s5+s3], $0x80, v4, vm0, $0xb8;
	[tilespmem:$0x14100] =	vst v63  }
0x71: {  	v3 =	vperm.xlane v3, v2;
	s4 =	simm.s32 $0x10100  }
0x72: {  	[tilespmem:s4], [sflag:$0x2] =	stream.indirect_vreg.gather [hbm4b:s6+s3], $0x80, v4, vm0, $0xb8;
	[tilespmem:$0x14100] =	vst v63  }
0x73: {  	v3 =	vadd.s32 v1, v3;
	s4 =	simm.s32 $0x10900  }
0x74: {  	[tilespmem:s4], [sflag:$0x2] =	stream.indirect_vreg.gather [hbm4b:s7+s3], $0x80, v4, vm0, $0xb8;
	[tilespmem:$0x14100] =	vst v63  }
0x75: {  	s4 =	simm.s32 $0x11100  }
0x76: {  	[tilespmem:s4], [sflag:$0x2] =	stream.indirect_vreg.gather [hbm4b:s8+s3], $0x80, v4, vm0, $0xb8;
	[tilespmem:$0x14100] =	vst v63  }
0x77: {  	s4 =	simm.s32 $0x11900  }
0x78: {  	[tilespmem:s4], [sflag:$0x2] =	stream.indirect_vreg.gather [hbm4b:s1+s3], $0x80, v3, vm0, $0xb8;
	[tilespmem:$0x14100] =	vst v63  }
0x79: {  	s4 =	simm.s32 $0x12100  }
0x7a: {  	[tilespmem:s4], [sflag:$0x2] =	stream.indirect_vreg.gather [hbm4b:s5+s3], $0x80, v3, vm0, $0xb8;
	[tilespmem:$0x14100] =	vst v63  }
0x7b: {  	s4 =	simm.s32 $0x12900  }
0x7c: {  	[tilespmem:s4], [sflag:$0x2] =	stream.indirect_vreg.gather [hbm4b:s6+s3], $0x80, v3, vm0, $0xb8;
	[tilespmem:$0x14100] =	vst v63  }
0x7d: {  	s4 =	simm.s32 $0x13100  }
0x7e: {  	[tilespmem:s4], [sflag:$0x2] =	stream.indirect_vreg.gather [hbm4b:s7+s3], $0x80, v3, vm0, $0xb8;
	[tilespmem:$0x14100] =	vst v63  }
0x7f: {  	s4 =	simm.s32 $0x13900  }
0x80: {  	[tilespmem:s4], [sflag:$0x2] =	stream.indirect_vreg.gather [hbm4b:s8+s3], $0x80, v3, vm0, $0xb8;
	[tilespmem:$0x14100] =	vst v63  }
0x81: {  	_ =	swait.ge [sflag:s29], $0xA000  }
0x82: {  	[sflag:s29] =	ssyncset.done $0x0  }
0x83: {  	s4 =	rddreg [dreg:$0xc];
	[sflag:s29] =	ssyncadd.s32 $0xFFFF6000  }
0x84: {  	[hbm4b:s4+s3] =	stream.linear.scatter [tilespmem:s2], [sflag:$0x3], $0xA000, $0x38;
	[tilespmem:$0x14100] =	vst v63  }
0x85: {  	_ =	swait.ge [sflag:s30], $0xA000  }
0x86: {  	[sflag:s30] =	ssyncset.done $0x0  }
0x87: {  	[sflag:s30] =	ssyncadd.s32 $0xFFFF6000  }
0x88: {  	v3 =	vld [tilespmem:$0x40];
	_ =	sdelay $0x4  }
0x89: {  	v52 =	vshrl.u32 v3, $0x3  }
0x8a: {  	v4 =	vmul.u32 $0x50, v52  }
0x8b: {  	v3 =	vand.u32 $0x7, v3  }
0x8c: {  	v3 =	vor.u32 v3, v4  }
0x8d: {  	v4 =	vperm.xlane v3, v0;
	_ =	sdelay $0x1  }
0x8e: {  	v4 =	vadd.s32 v1, v4;
	_ =	sdelay $0x4  }
0x8f: {  	[tilespmem:s2], [sflag:$0x1] =	stream.indirect_vreg.gather [hbm4b:s1+s3], $0x80, v4, vm0, $0xb8;
	[tilespmem:$0x14100] =	vst v63  }
0x90: {  	s25 =	simm.s32 $0x900  }
0x91: {  	[tilespmem:s25], [sflag:$0x1] =	stream.indirect_vreg.gather [hbm4b:s5+s3], $0x80, v4, vm0, $0xb8;
	[tilespmem:$0x14100] =	vst v63  }
0x92: {  	s23 =	simm.s32 $0x1100;
	v3 =	vperm.xlane v3, v2  }
0x93: {  	[tilespmem:s23], [sflag:$0x1] =	stream.indirect_vreg.gather [hbm4b:s6+s3], $0x80, v4, vm0, $0xb8;
	[tilespmem:$0x14100] =	vst v63  }
0x94: {  	v3 =	vadd.s32 v1, v3;
	s23 =	simm.s32 $0x1900  }
0x95: {  	[tilespmem:s23], [sflag:$0x1] =	stream.indirect_vreg.gather [hbm4b:s7+s3], $0x80, v4, vm0, $0xb8;
	[tilespmem:$0x14100] =	vst v63  }
0x96: {  	s25 =	simm.s32 $0x2100  }
0x97: {  	[tilespmem:s25], [sflag:$0x1] =	stream.indirect_vreg.gather [hbm4b:s8+s3], $0x80, v4, vm0, $0xb8;
	[tilespmem:$0x14100] =	vst v63  }
0x98: {  	s12 =	simm.s32 $0x2900  }
0x99: {  	[tilespmem:s12], [sflag:$0x1] =	stream.indirect_vreg.gather [hbm4b:s1+s3], $0x80, v3, vm0, $0xb8;
	[tilespmem:$0x14100] =	vst v63  }
0x9a: {  	s13 =	simm.s32 $0x3100  }
0x9b: {  	[tilespmem:s13], [sflag:$0x1] =	stream.indirect_vreg.gather [hbm4b:s5+s3], $0x80, v3, vm0, $0xb8;
	[tilespmem:$0x14100] =	vst v63  }
0x9c: {  	s14 =	simm.s32 $0x3900  }
0x9d: {  	[tilespmem:s14], [sflag:$0x1] =	stream.indirect_vreg.gather [hbm4b:s6+s3], $0x80, v3, vm0, $0xb8;
	[tilespmem:$0x14100] =	vst v63  }
0x9e: {  	s15 =	simm.s32 $0x4100  }
0x9f: {  	[tilespmem:s15], [sflag:$0x1] =	stream.indirect_vreg.gather [hbm4b:s7+s3], $0x80, v3, vm0, $0xb8;
	[tilespmem:$0x14100] =	vst v63  }
0xa0: {  	s24 =	simm.s32 $0x4900  }
0xa1: {  	[tilespmem:s24], [sflag:$0x1] =	stream.indirect_vreg.gather [hbm4b:s8+s3], $0x80, v3, vm0, $0xb8;
	[tilespmem:$0x14100] =	vst v63  }
0xa2: {  	v3 =	vld [tilespmem:$0x50];
	_ =	sdelay $0x4  }
0xa3: {  	v53 =	vshrl.u32 v3, $0x3  }
0xa4: {  	v4 =	vmul.u32 $0x50, v53  }
0xa5: {  	v3 =	vand.u32 $0x7, v3  }
0xa6: {  	v3 =	vor.u32 v3, v4  }
0xa7: {  	v4 =	vperm.xlane v3, v0;
	_ =	sdelay $0x1  }
0xa8: {  	v4 =	vadd.s32 v1, v4;
	_ =	sdelay $0x3  }
0xa9: {  	s16 =	simm.s32 $0x5100  }
0xaa: {  	[tilespmem:s16], [sflag:$0x1] =	stream.indirect_vreg.gather [hbm4b:s1+s3], $0x80, v4, vm0, $0xb8;
	[tilespmem:$0x14100] =	vst v63  }
0xab: {  	s26 =	simm.s32 $0x5900  }
0xac: {  	[tilespmem:s26], [sflag:$0x1] =	stream.indirect_vreg.gather [hbm4b:s5+s3], $0x80, v4, vm0, $0xb8;
	[tilespmem:$0x14100] =	vst v63  }
0xad: {  	s28 =	simm.s32 $0x6100;
	v3 =	vperm.xlane v3, v2  }
0xae: {  	[tilespmem:s28], [sflag:$0x1] =	stream.indirect_vreg.gather [hbm4b:s6+s3], $0x80, v4, vm0, $0xb8;
	[tilespmem:$0x14100] =	vst v63  }
0xaf: {  	s17 =	simm.s32 $0x6900;
	v3 =	vadd.s32 v1, v3  }
0xb0: {  	[tilespmem:s17], [sflag:$0x1] =	stream.indirect_vreg.gather [hbm4b:s7+s3], $0x80, v4, vm0, $0xb8;
	[tilespmem:$0x14100] =	vst v63  }
0xb1: {  	s18 =	simm.s32 $0x7100  }
0xb2: {  	[tilespmem:s18], [sflag:$0x1] =	stream.indirect_vreg.gather [hbm4b:s8+s3], $0x80, v4, vm0, $0xb8;
	[tilespmem:$0x14100] =	vst v63  }
0xb3: {  	s19 =	simm.s32 $0x7900  }
0xb4: {  	[tilespmem:s19], [sflag:$0x1] =	stream.indirect_vreg.gather [hbm4b:s1+s3], $0x80, v3, vm0, $0xb8;
	[tilespmem:$0x14100] =	vst v63  }
0xb5: {  	s20 =	simm.s32 $0x8100  }
0xb6: {  	[tilespmem:s20], [sflag:$0x1] =	stream.indirect_vreg.gather [hbm4b:s5+s3], $0x80, v3, vm0, $0xb8;
	[tilespmem:$0x14100] =	vst v63  }
0xb7: {  	s21 =	simm.s32 $0x8900  }
0xb8: {  	[tilespmem:s21], [sflag:$0x1] =	stream.indirect_vreg.gather [hbm4b:s6+s3], $0x80, v3, vm0, $0xb8;
	[tilespmem:$0x14100] =	vst v63  }
0xb9: {  	s22 =	simm.s32 $0x9100  }
0xba: {  	[tilespmem:s22], [sflag:$0x1] =	stream.indirect_vreg.gather [hbm4b:s7+s3], $0x80, v3, vm0, $0xb8;
	[tilespmem:$0x14100] =	vst v63  }
0xbb: {  	s10 =	simm.s32 $0x9900  }
0xbc: {  	[tilespmem:s10], [sflag:$0x1] =	stream.indirect_vreg.gather [hbm4b:s8+s3], $0x80, v3, vm0, $0xb8;
	[tilespmem:$0x14100] =	vst v63  }
0xbd: {  	_ =	swait.ge [sflag:s31], $0xA000  }
0xbe: {  	[sflag:s31] =	ssyncset.done $0x0  }
0xbf: {  	s22 =	rddreg [dreg:$0x5];
	[sflag:s31] =	ssyncadd.s32 $0xFFFF6000  }
0xc0: {  	[hbm4b:s22+s3] =	stream.linear.scatter [tilespmem:s11], [sflag:$0x4], $0xA000, $0x38;
	[tilespmem:$0x14100] =	vst v63  }
0xc1: {  	_ =	swait.ge [sflag:s0], $0xA000  }
0xc2: {  	[sflag:s0] =	ssyncset.done $0x0  }
0xc3: {  	[sflag:s0] =	ssyncadd.s32 $0xFFFF6000  }
0xc4: {  	v3 =	vld [tilespmem:$0x60];
	_ =	sdelay $0x4  }
0xc5: {  	v54 =	vshrl.u32 v3, $0x3  }
0xc6: {  	v4 =	vmul.u32 $0x50, v54  }
0xc7: {  	v3 =	vand.u32 $0x7, v3  }
0xc8: {  	v3 =	vor.u32 v3, v4  }
0xc9: {  	v4 =	vperm.xlane v3, v0;
	_ =	sdelay $0x1  }
0xca: {  	v4 =	vadd.s32 v1, v4;
	_ =	sdelay $0x4  }
0xcb: {  	[tilespmem:s11], [sflag:$0x2] =	stream.indirect_vreg.gather [hbm4b:s1+s3], $0x80, v4, vm0, $0xb8;
	[tilespmem:$0x14100] =	vst v63  }
0xcc: {  	s23 =	simm.s32 $0xA900  }
0xcd: {  	[tilespmem:s23], [sflag:$0x2] =	stream.indirect_vreg.gather [hbm4b:s5+s3], $0x80, v4, vm0, $0xb8;
	[tilespmem:$0x14100] =	vst v63  }
0xce: {  	s24 =	simm.s32 $0xB100;
	v3 =	vperm.xlane v3, v2  }
0xcf: {  	[tilespmem:s24], [sflag:$0x2] =	stream.indirect_vreg.gather [hbm4b:s6+s3], $0x80, v4, vm0, $0xb8;
	[tilespmem:$0x14100] =	vst v63  }
0xd0: {  	s25 =	simm.s32 $0xB900;
	v3 =	vadd.s32 v1, v3  }
0xd1: {  	[tilespmem:s25], [sflag:$0x2] =	stream.indirect_vreg.gather [hbm4b:s7+s3], $0x80, v4, vm0, $0xb8;
	[tilespmem:$0x14100] =	vst v63  }
0xd2: {  	s26 =	simm.s32 $0xC100  }
0xd3: {  	[tilespmem:s26], [sflag:$0x2] =	stream.indirect_vreg.gather [hbm4b:s8+s3], $0x80, v4, vm0, $0xb8;
	[tilespmem:$0x14100] =	vst v63  }
0xd4: {  	s28 =	simm.s32 $0xC900  }
0xd5: {  	[tilespmem:s28], [sflag:$0x2] =	stream.indirect_vreg.gather [hbm4b:s1+s3], $0x80, v3, vm0, $0xb8;
	[tilespmem:$0x14100] =	vst v63  }
0xd6: {  	s12 =	simm.s32 $0xD100  }
0xd7: {  	[tilespmem:s12], [sflag:$0x2] =	stream.indirect_vreg.gather [hbm4b:s5+s3], $0x80, v3, vm0, $0xb8;
	[tilespmem:$0x14100] =	vst v63  }
0xd8: {  	s14 =	simm.s32 $0xD900  }
0xd9: {  	[tilespmem:s14], [sflag:$0x2] =	stream.indirect_vreg.gather [hbm4b:s6+s3], $0x80, v3, vm0, $0xb8;
	[tilespmem:$0x14100] =	vst v63  }
0xda: {  	s15 =	simm.s32 $0xE100  }
0xdb: {  	[tilespmem:s15], [sflag:$0x2] =	stream.indirect_vreg.gather [hbm4b:s7+s3], $0x80, v3, vm0, $0xb8;
	[tilespmem:$0x14100] =	vst v63  }
0xdc: {  	s18 =	simm.s32 $0xE900  }
0xdd: {  	[tilespmem:s18], [sflag:$0x2] =	stream.indirect_vreg.gather [hbm4b:s8+s3], $0x80, v3, vm0, $0xb8;
	[tilespmem:$0x14100] =	vst v63  }
0xde: {  	v3 =	vld [tilespmem:$0x70];
	_ =	sdelay $0x4  }
0xdf: {  	v55 =	vshrl.u32 v3, $0x3  }
0xe0: {  	v4 =	vmul.u32 $0x50, v55  }
0xe1: {  	v3 =	vand.u32 $0x7, v3  }
0xe2: {  	v3 =	vor.u32 v3, v4  }
0xe3: {  	v4 =	vperm.xlane v3, v0;
	_ =	sdelay $0x1  }
0xe4: {  	v4 =	vadd.s32 v1, v4;
	_ =	sdelay $0x3  }
0xe5: {  	s20 =	simm.s32 $0xF100  }
0xe6: {  	[tilespmem:s20], [sflag:$0x2] =	stream.indirect_vreg.gather [hbm4b:s1+s3], $0x80, v4, vm0, $0xb8;
	[tilespmem:$0x14100] =	vst v63  }
0xe7: {  	s21 =	simm.s32 $0xF900  }
0xe8: {  	[tilespmem:s21], [sflag:$0x2] =	stream.indirect_vreg.gather [hbm4b:s5+s3], $0x80, v4, vm0, $0xb8;
	[tilespmem:$0x14100] =	vst v63  }
0xe9: {  	s22 =	simm.s32 $0x10100;
	v3 =	vperm.xlane v3, v2  }
0xea: {  	[tilespmem:s22], [sflag:$0x2] =	stream.indirect_vreg.gather [hbm4b:s6+s3], $0x80, v4, vm0, $0xb8;
	[tilespmem:$0x14100] =	vst v63  }
0xeb: {  	s23 =	simm.s32 $0x10900;
	v3 =	vadd.s32 v1, v3  }
0xec: {  	[tilespmem:s23], [sflag:$0x2] =	stream.indirect_vreg.gather [hbm4b:s7+s3], $0x80, v4, vm0, $0xb8;
	[tilespmem:$0x14100] =	vst v63  }
0xed: {  	s15 =	simm.s32 $0x11100  }
0xee: {  	[tilespmem:s15], [sflag:$0x2] =	stream.indirect_vreg.gather [hbm4b:s8+s3], $0x80, v4, vm0, $0xb8;
	[tilespmem:$0x14100] =	vst v63  }
0xef: {  	s20 =	simm.s32 $0x11900  }
0xf0: {  	[tilespmem:s20], [sflag:$0x2] =	stream.indirect_vreg.gather [hbm4b:s1+s3], $0x80, v3, vm0, $0xb8;
	[tilespmem:$0x14100] =	vst v63  }
0xf1: {  	s21 =	simm.s32 $0x12100  }
0xf2: {  	[tilespmem:s21], [sflag:$0x2] =	stream.indirect_vreg.gather [hbm4b:s5+s3], $0x80, v3, vm0, $0xb8;
	[tilespmem:$0x14100] =	vst v63  }
0xf3: {  	s22 =	simm.s32 $0x12900  }
0xf4: {  	[tilespmem:s22], [sflag:$0x2] =	stream.indirect_vreg.gather [hbm4b:s6+s3], $0x80, v3, vm0, $0xb8;
	[tilespmem:$0x14100] =	vst v63  }
0xf5: {  	s23 =	simm.s32 $0x13100  }
0xf6: {  	[tilespmem:s23], [sflag:$0x2] =	stream.indirect_vreg.gather [hbm4b:s7+s3], $0x80, v3, vm0, $0xb8;
	[tilespmem:$0x14100] =	vst v63  }
0xf7: {  	s4 =	simm.s32 $0x13900  }
0xf8: {  	[tilespmem:s4], [sflag:$0x2] =	stream.indirect_vreg.gather [hbm4b:s8+s3], $0x80, v3, vm0, $0xb8;
	[tilespmem:$0x14100] =	vst v63  }
0xf9: {  	_ =	swait.ge [sflag:s29], $0xA000  }
0xfa: {  	[sflag:s29] =	ssyncset.done $0x0  }
0xfb: {  	s4 =	rddreg [dreg:$0x6];
	[sflag:s29] =	ssyncadd.s32 $0xFFFF6000  }
0xfc: {  	[hbm4b:s4+s3] =	stream.linear.scatter [tilespmem:s2], [sflag:$0x3], $0xA000, $0x38;
	[tilespmem:$0x14100] =	vst v63  }
0xfd: {  	_ =	swait.ge [sflag:s30], $0xA000  }
0xfe: {  	[sflag:s30] =	ssyncset.done $0x0  }
0xff: {  	[sflag:s30] =	ssyncadd.s32 $0xFFFF6000  }
0x100: {  	v3 =	vld [tilespmem:$0x80];
	_ =	sdelay $0x4  }
0x101: {  	v56 =	vshrl.u32 v3, $0x3  }
0x102: {  	v4 =	vmul.u32 $0x50, v56  }
0x103: {  	v3 =	vand.u32 $0x7, v3  }
0x104: {  	v3 =	vor.u32 v3, v4  }
0x105: {  	v4 =	vperm.xlane v3, v0;
	_ =	sdelay $0x1  }
0x106: {  	v4 =	vadd.s32 v1, v4;
	_ =	sdelay $0x4  }
0x107: {  	[tilespmem:s2], [sflag:$0x1] =	stream.indirect_vreg.gather [hbm4b:s1+s3], $0x80, v4, vm0, $0xb8;
	[tilespmem:$0x14100] =	vst v63  }
0x108: {  	s4 =	simm.s32 $0x900  }
0x109: {  	[tilespmem:s4], [sflag:$0x1] =	stream.indirect_vreg.gather [hbm4b:s5+s3], $0x80, v4, vm0, $0xb8;
	[tilespmem:$0x14100] =	vst v63  }
0x10a: {  	v3 =	vperm.xlane v3, v2;
	s4 =	simm.s32 $0x1100  }
0x10b: {  	[tilespmem:s4], [sflag:$0x1] =	stream.indirect_vreg.gather [hbm4b:s6+s3], $0x80, v4, vm0, $0xb8;
	[tilespmem:$0x14100] =	vst v63  }
0x10c: {  	v3 =	vadd.s32 v1, v3;
	s4 =	simm.s32 $0x1900  }
0x10d: {  	[tilespmem:s4], [sflag:$0x1] =	stream.indirect_vreg.gather [hbm4b:s7+s3], $0x80, v4, vm0, $0xb8;
	[tilespmem:$0x14100] =	vst v63  }
0x10e: {  	s4 =	simm.s32 $0x2100  }
0x10f: {  	[tilespmem:s4], [sflag:$0x1] =	stream.indirect_vreg.gather [hbm4b:s8+s3], $0x80, v4, vm0, $0xb8;
	[tilespmem:$0x14100] =	vst v63  }
0x110: {  	s4 =	simm.s32 $0x2900  }
0x111: {  	[tilespmem:s4], [sflag:$0x1] =	stream.indirect_vreg.gather [hbm4b:s1+s3], $0x80, v3, vm0, $0xb8;
	[tilespmem:$0x14100] =	vst v63  }
0x112: {  	s4 =	simm.s32 $0x3100  }
0x113: {  	[tilespmem:s4], [sflag:$0x1] =	stream.indirect_vreg.gather [hbm4b:s5+s3], $0x80, v3, vm0, $0xb8;
	[tilespmem:$0x14100] =	vst v63  }
0x114: {  	s4 =	simm.s32 $0x3900  }
0x115: {  	[tilespmem:s4], [sflag:$0x1] =	stream.indirect_vreg.gather [hbm4b:s6+s3], $0x80, v3, vm0, $0xb8;
	[tilespmem:$0x14100] =	vst v63  }
0x116: {  	s4 =	simm.s32 $0x4100  }
0x117: {  	[tilespmem:s4], [sflag:$0x1] =	stream.indirect_vreg.gather [hbm4b:s7+s3], $0x80, v3, vm0, $0xb8;
	[tilespmem:$0x14100] =	vst v63  }
0x118: {  	s4 =	simm.s32 $0x4900  }
0x119: {  	[tilespmem:s4], [sflag:$0x1] =	stream.indirect_vreg.gather [hbm4b:s8+s3], $0x80, v3, vm0, $0xb8;
	[tilespmem:$0x14100] =	vst v63  }
0x11a: {  	v3 =	vld [tilespmem:$0x90];
	_ =	sdelay $0x4  }
0x11b: {  	v57 =	vshrl.u32 v3, $0x3  }
0x11c: {  	v4 =	vmul.u32 $0x50, v57  }
0x11d: {  	v3 =	vand.u32 $0x7, v3  }
0x11e: {  	v3 =	vor.u32 v3, v4  }
0x11f: {  	v4 =	vperm.xlane v3, v0;
	_ =	sdelay $0x1  }
0x120: {  	v4 =	vadd.s32 v1, v4;
	_ =	sdelay $0x3  }
0x121: {  	s4 =	simm.s32 $0x5100  }
0x122: {  	[tilespmem:s4], [sflag:$0x1] =	stream.indirect_vreg.gather [hbm4b:s1+s3], $0x80, v4, vm0, $0xb8;
	[tilespmem:$0x14100] =	vst v63  }
0x123: {  	s4 =	simm.s32 $0x5900  }
0x124: {  	[tilespmem:s4], [sflag:$0x1] =	stream.indirect_vreg.gather [hbm4b:s5+s3], $0x80, v4, vm0, $0xb8;
	[tilespmem:$0x14100] =	vst v63  }
0x125: {  	v3 =	vperm.xlane v3, v2;
	s4 =	simm.s32 $0x6100  }
0x126: {  	[tilespmem:s4], [sflag:$0x1] =	stream.indirect_vreg.gather [hbm4b:s6+s3], $0x80, v4, vm0, $0xb8;
	[tilespmem:$0x14100] =	vst v63  }
0x127: {  	v3 =	vadd.s32 v1, v3;
	s4 =	simm.s32 $0x6900  }
0x128: {  	[tilespmem:s4], [sflag:$0x1] =	stream.indirect_vreg.gather [hbm4b:s7+s3], $0x80, v4, vm0, $0xb8;
	[tilespmem:$0x14100] =	vst v63  }
0x129: {  	s4 =	simm.s32 $0x7100  }
0x12a: {  	[tilespmem:s4], [sflag:$0x1] =	stream.indirect_vreg.gather [hbm4b:s8+s3], $0x80, v4, vm0, $0xb8;
	[tilespmem:$0x14100] =	vst v63  }
0x12b: {  	s4 =	simm.s32 $0x7900  }
0x12c: {  	[tilespmem:s4], [sflag:$0x1] =	stream.indirect_vreg.gather [hbm4b:s1+s3], $0x80, v3, vm0, $0xb8;
	[tilespmem:$0x14100] =	vst v63  }
0x12d: {  	s4 =	simm.s32 $0x8100  }
0x12e: {  	[tilespmem:s4], [sflag:$0x1] =	stream.indirect_vreg.gather [hbm4b:s5+s3], $0x80, v3, vm0, $0xb8;
	[tilespmem:$0x14100] =	vst v63  }
0x12f: {  	s4 =	simm.s32 $0x8900  }
0x130: {  	[tilespmem:s4], [sflag:$0x1] =	stream.indirect_vreg.gather [hbm4b:s6+s3], $0x80, v3, vm0, $0xb8;
	[tilespmem:$0x14100] =	vst v63  }
0x131: {  	s4 =	simm.s32 $0x9100  }
0x132: {  	[tilespmem:s4], [sflag:$0x1] =	stream.indirect_vreg.gather [hbm4b:s7+s3], $0x80, v3, vm0, $0xb8;
	[tilespmem:$0x14100] =	vst v63  }
0x133: {  	s4 =	simm.s32 $0x9900  }
0x134: {  	[tilespmem:s4], [sflag:$0x1] =	stream.indirect_vreg.gather [hbm4b:s8+s3], $0x80, v3, vm0, $0xb8;
	[tilespmem:$0x14100] =	vst v63  }
0x135: {  	_ =	swait.ge [sflag:s31], $0xA000  }
0x136: {  	[sflag:s31] =	ssyncset.done $0x0  }
0x137: {  	s4 =	rddreg [dreg:$0x7];
	[sflag:s31] =	ssyncadd.s32 $0xFFFF6000  }
0x138: {  	[hbm4b:s4+s3] =	stream.linear.scatter [tilespmem:s11], [sflag:$0x4], $0xA000, $0x38;
	[tilespmem:$0x14100] =	vst v63  }
0x139: {  	_ =	swait.ge [sflag:s0], $0xA000  }
0x13a: {  	[sflag:s0] =	ssyncset.done $0x0  }
0x13b: {  	[sflag:s0] =	ssyncadd.s32 $0xFFFF6000  }
0x13c: {  	v3 =	vld [tilespmem:$0xA0];
	_ =	sdelay $0x4  }
0x13d: {  	v58 =	vshrl.u32 v3, $0x3  }
0x13e: {  	v4 =	vmul.u32 $0x50, v58  }
0x13f: {  	v3 =	vand.u32 $0x7, v3  }
0x140: {  	v3 =	vor.u32 v3, v4  }
0x141: {  	v4 =	vperm.xlane v3, v0;
	_ =	sdelay $0x1  }
0x142: {  	v4 =	vadd.s32 v1, v4;
	_ =	sdelay $0x4  }
0x143: {  	[tilespmem:s11], [sflag:$0x2] =	stream.indirect_vreg.gather [hbm4b:s1+s3], $0x80, v4, vm0, $0xb8;
	[tilespmem:$0x14100] =	vst v63  }
0x144: {  	s16 =	simm.s32 $0xA900  }
0x145: {  	[tilespmem:s16], [sflag:$0x2] =	stream.indirect_vreg.gather [hbm4b:s5+s3], $0x80, v4, vm0, $0xb8;
	[tilespmem:$0x14100] =	vst v63  }
0x146: {  	s17 =	simm.s32 $0xB100;
	v3 =	vperm.xlane v3, v2  }
0x147: {  	[tilespmem:s17], [sflag:$0x2] =	stream.indirect_vreg.gather [hbm4b:s6+s3], $0x80, v4, vm0, $0xb8;
	[tilespmem:$0x14100] =	vst v63  }
0x148: {  	s10 =	simm.s32 $0xB900;
	v3 =	vadd.s32 v1, v3  }
0x149: {  	[tilespmem:s10], [sflag:$0x2] =	stream.indirect_vreg.gather [hbm4b:s7+s3], $0x80, v4, vm0, $0xb8;
	[tilespmem:$0x14100] =	vst v63  }
0x14a: {  	s4 =	simm.s32 $0xC100  }
0x14b: {  	[tilespmem:s4], [sflag:$0x2] =	stream.indirect_vreg.gather [hbm4b:s8+s3], $0x80, v4, vm0, $0xb8;
	[tilespmem:$0x14100] =	vst v63  }
0x14c: {  	s13 =	simm.s32 $0xC900  }
0x14d: {  	[tilespmem:s13], [sflag:$0x2] =	stream.indirect_vreg.gather [hbm4b:s1+s3], $0x80, v3, vm0, $0xb8;
	[tilespmem:$0x14100] =	vst v63  }
0x14e: {  	s19 =	simm.s32 $0xD100  }
0x14f: {  	[tilespmem:s19], [sflag:$0x2] =	stream.indirect_vreg.gather [hbm4b:s5+s3], $0x80, v3, vm0, $0xb8;
	[tilespmem:$0x14100] =	vst v63  }
0x150: {  	s25 =	simm.s32 $0xD900  }
0x151: {  	[tilespmem:s25], [sflag:$0x2] =	stream.indirect_vreg.gather [hbm4b:s6+s3], $0x80, v3, vm0, $0xb8;
	[tilespmem:$0x14100] =	vst v63  }
0x152: {  	s12 =	simm.s32 $0xE100  }
0x153: {  	[tilespmem:s12], [sflag:$0x2] =	stream.indirect_vreg.gather [hbm4b:s7+s3], $0x80, v3, vm0, $0xb8;
	[tilespmem:$0x14100] =	vst v63  }
0x154: {  	s24 =	simm.s32 $0xE900  }
0x155: {  	[tilespmem:s24], [sflag:$0x2] =	stream.indirect_vreg.gather [hbm4b:s8+s3], $0x80, v3, vm0, $0xb8;
	[tilespmem:$0x14100] =	vst v63  }
0x156: {  	v3 =	vld [tilespmem:$0xB0];
	_ =	sdelay $0x4  }
0x157: {  	v59 =	vshrl.u32 v3, $0x3  }
0x158: {  	v4 =	vmul.u32 $0x50, v59  }
0x159: {  	v3 =	vand.u32 $0x7, v3  }
0x15a: {  	v3 =	vor.u32 v3, v4  }
0x15b: {  	v4 =	vperm.xlane v3, v0;
	_ =	sdelay $0x1  }
0x15c: {  	v4 =	vadd.s32 v1, v4;
	_ =	sdelay $0x3  }
0x15d: {  	s14 =	simm.s32 $0xF100  }
0x15e: {  	[tilespmem:s14], [sflag:$0x2] =	stream.indirect_vreg.gather [hbm4b:s1+s3], $0x80, v4, vm0, $0xb8;
	[tilespmem:$0x14100] =	vst v63  }
0x15f: {  	s26 =	simm.s32 $0xF900  }
0x160: {  	[tilespmem:s26], [sflag:$0x2] =	stream.indirect_vreg.gather [hbm4b:s5+s3], $0x80, v4, vm0, $0xb8;
	[tilespmem:$0x14100] =	vst v63  }
0x161: {  	s28 =	simm.s32 $0x10100;
	v3 =	vperm.xlane v3, v2  }
0x162: {  	[tilespmem:s28], [sflag:$0x2] =	stream.indirect_vreg.gather [hbm4b:s6+s3], $0x80, v4, vm0, $0xb8;
	[tilespmem:$0x14100] =	vst v63  }
0x163: {  	s18 =	simm.s32 $0x10900;
	v3 =	vadd.s32 v1, v3  }
0x164: {  	[tilespmem:s18], [sflag:$0x2] =	stream.indirect_vreg.gather [hbm4b:s7+s3], $0x80, v4, vm0, $0xb8;
	[tilespmem:$0x14100] =	vst v63  }
0x165: {  	s15 =	simm.s32 $0x11100  }
0x166: {  	[tilespmem:s15], [sflag:$0x2] =	stream.indirect_vreg.gather [hbm4b:s8+s3], $0x80, v4, vm0, $0xb8;
	[tilespmem:$0x14100] =	vst v63  }
0x167: {  	s20 =	simm.s32 $0x11900  }
0x168: {  	[tilespmem:s20], [sflag:$0x2] =	stream.indirect_vreg.gather [hbm4b:s1+s3], $0x80, v3, vm0, $0xb8;
	[tilespmem:$0x14100] =	vst v63  }
0x169: {  	s21 =	simm.s32 $0x12100  }
0x16a: {  	[tilespmem:s21], [sflag:$0x2] =	stream.indirect_vreg.gather [hbm4b:s5+s3], $0x80, v3, vm0, $0xb8;
	[tilespmem:$0x14100] =	vst v63  }
0x16b: {  	s22 =	simm.s32 $0x12900  }
0x16c: {  	[tilespmem:s22], [sflag:$0x2] =	stream.indirect_vreg.gather [hbm4b:s6+s3], $0x80, v3, vm0, $0xb8;
	[tilespmem:$0x14100] =	vst v63  }
0x16d: {  	s23 =	simm.s32 $0x13100  }
0x16e: {  	[tilespmem:s23], [sflag:$0x2] =	stream.indirect_vreg.gather [hbm4b:s7+s3], $0x80, v3, vm0, $0xb8;
	[tilespmem:$0x14100] =	vst v63  }
0x16f: {  	s4 =	simm.s32 $0x13900  }
0x170: {  	[tilespmem:s4], [sflag:$0x2] =	stream.indirect_vreg.gather [hbm4b:s8+s3], $0x80, v3, vm0, $0xb8;
	[tilespmem:$0x14100] =	vst v63  }
0x171: {  	_ =	swait.ge [sflag:s29], $0xA000  }
0x172: {  	[sflag:s29] =	ssyncset.done $0x0  }
0x173: {  	s4 =	rddreg [dreg:$0x8];
	[sflag:s29] =	ssyncadd.s32 $0xFFFF6000  }
0x174: {  	[hbm4b:s4+s3] =	stream.linear.scatter [tilespmem:s2], [sflag:$0x3], $0xA000, $0x38;
	[tilespmem:$0x14100] =	vst v63  }
0x175: {  	_ =	swait.ge [sflag:s30], $0xA000  }
0x176: {  	[sflag:s30] =	ssyncset.done $0x0  }
0x177: {  	[sflag:s30] =	ssyncadd.s32 $0xFFFF6000  }
0x178: {  	v3 =	vld [tilespmem:$0xC0];
	_ =	sdelay $0x4  }
0x179: {  	v60 =	vshrl.u32 v3, $0x3  }
0x17a: {  	v4 =	vmul.u32 $0x50, v60  }
0x17b: {  	v3 =	vand.u32 $0x7, v3  }
0x17c: {  	v3 =	vor.u32 v3, v4  }
0x17d: {  	v4 =	vperm.xlane v3, v0;
	_ =	sdelay $0x1  }
0x17e: {  	v4 =	vadd.s32 v1, v4;
	_ =	sdelay $0x4  }
0x17f: {  	[tilespmem:s2], [sflag:$0x1] =	stream.indirect_vreg.gather [hbm4b:s1+s3], $0x80, v4, vm0, $0xb8;
	[tilespmem:$0x14100] =	vst v63  }
0x180: {  	s4 =	simm.s32 $0x900  }
0x181: {  	[tilespmem:s4], [sflag:$0x1] =	stream.indirect_vreg.gather [hbm4b:s5+s3], $0x80, v4, vm0, $0xb8;
	[tilespmem:$0x14100] =	vst v63  }
0x182: {  	v3 =	vperm.xlane v3, v2;
	s4 =	simm.s32 $0x1100  }
0x183: {  	[tilespmem:s4], [sflag:$0x1] =	stream.indirect_vreg.gather [hbm4b:s6+s3], $0x80, v4, vm0, $0xb8;
	[tilespmem:$0x14100] =	vst v63  }
0x184: {  	v3 =	vadd.s32 v1, v3;
	s4 =	simm.s32 $0x1900  }
0x185: {  	[tilespmem:s4], [sflag:$0x1] =	stream.indirect_vreg.gather [hbm4b:s7+s3], $0x80, v4, vm0, $0xb8;
	[tilespmem:$0x14100] =	vst v63  }
0x186: {  	s4 =	simm.s32 $0x2100  }
0x187: {  	[tilespmem:s4], [sflag:$0x1] =	stream.indirect_vreg.gather [hbm4b:s8+s3], $0x80, v4, vm0, $0xb8;
	[tilespmem:$0x14100] =	vst v63  }
0x188: {  	s4 =	simm.s32 $0x2900  }
0x189: {  	[tilespmem:s4], [sflag:$0x1] =	stream.indirect_vreg.gather [hbm4b:s1+s3], $0x80, v3, vm0, $0xb8;
	[tilespmem:$0x14100] =	vst v63  }
0x18a: {  	s4 =	simm.s32 $0x3100  }
0x18b: {  	[tilespmem:s4], [sflag:$0x1] =	stream.indirect_vreg.gather [hbm4b:s5+s3], $0x80, v3, vm0, $0xb8;
	[tilespmem:$0x14100] =	vst v63  }
0x18c: {  	s4 =	simm.s32 $0x3900  }
0x18d: {  	[tilespmem:s4], [sflag:$0x1] =	stream.indirect_vreg.gather [hbm4b:s6+s3], $0x80, v3, vm0, $0xb8;
	[tilespmem:$0x14100] =	vst v63  }
0x18e: {  	s4 =	simm.s32 $0x4100  }
0x18f: {  	[tilespmem:s4], [sflag:$0x1] =	stream.indirect_vreg.gather [hbm4b:s7+s3], $0x80, v3, vm0, $0xb8;
	[tilespmem:$0x14100] =	vst v63  }
0x190: {  	s4 =	simm.s32 $0x4900  }
0x191: {  	[tilespmem:s4], [sflag:$0x1] =	stream.indirect_vreg.gather [hbm4b:s8+s3], $0x80, v3, vm0, $0xb8;
	[tilespmem:$0x14100] =	vst v63  }
0x192: {  	v3 =	vld [tilespmem:$0xD0];
	_ =	sdelay $0x4  }
0x193: {  	v61 =	vshrl.u32 v3, $0x3  }
0x194: {  	v4 =	vmul.u32 $0x50, v61  }
0x195: {  	v3 =	vand.u32 $0x7, v3  }
0x196: {  	v3 =	vor.u32 v3, v4  }
0x197: {  	v4 =	vperm.xlane v3, v0;
	_ =	sdelay $0x1  }
0x198: {  	v4 =	vadd.s32 v1, v4;
	_ =	sdelay $0x3  }
0x199: {  	s4 =	simm.s32 $0x5100  }
0x19a: {  	[tilespmem:s4], [sflag:$0x1] =	stream.indirect_vreg.gather [hbm4b:s1+s3], $0x80, v4, vm0, $0xb8;
	[tilespmem:$0x14100] =	vst v63  }
0x19b: {  	s4 =	simm.s32 $0x5900  }
0x19c: {  	[tilespmem:s4], [sflag:$0x1] =	stream.indirect_vreg.gather [hbm4b:s5+s3], $0x80, v4, vm0, $0xb8;
	[tilespmem:$0x14100] =	vst v63  }
0x19d: {  	v3 =	vperm.xlane v3, v2;
	s4 =	simm.s32 $0x6100  }
0x19e: {  	[tilespmem:s4], [sflag:$0x1] =	stream.indirect_vreg.gather [hbm4b:s6+s3], $0x80, v4, vm0, $0xb8;
	[tilespmem:$0x14100] =	vst v63  }
0x19f: {  	v3 =	vadd.s32 v1, v3;
	s4 =	simm.s32 $0x6900  }
0x1a0: {  	[tilespmem:s4], [sflag:$0x1] =	stream.indirect_vreg.gather [hbm4b:s7+s3], $0x80, v4, vm0, $0xb8;
	[tilespmem:$0x14100] =	vst v63  }
0x1a1: {  	s4 =	simm.s32 $0x7100  }
0x1a2: {  	[tilespmem:s4], [sflag:$0x1] =	stream.indirect_vreg.gather [hbm4b:s8+s3], $0x80, v4, vm0, $0xb8;
	[tilespmem:$0x14100] =	vst v63  }
0x1a3: {  	s4 =	simm.s32 $0x7900  }
0x1a4: {  	[tilespmem:s4], [sflag:$0x1] =	stream.indirect_vreg.gather [hbm4b:s1+s3], $0x80, v3, vm0, $0xb8;
	[tilespmem:$0x14100] =	vst v63  }
0x1a5: {  	s4 =	simm.s32 $0x8100  }
0x1a6: {  	[tilespmem:s4], [sflag:$0x1] =	stream.indirect_vreg.gather [hbm4b:s5+s3], $0x80, v3, vm0, $0xb8;
	[tilespmem:$0x14100] =	vst v63  }
0x1a7: {  	s4 =	simm.s32 $0x8900  }
0x1a8: {  	[tilespmem:s4], [sflag:$0x1] =	stream.indirect_vreg.gather [hbm4b:s6+s3], $0x80, v3, vm0, $0xb8;
	[tilespmem:$0x14100] =	vst v63  }
0x1a9: {  	s4 =	simm.s32 $0x9100  }
0x1aa: {  	[tilespmem:s4], [sflag:$0x1] =	stream.indirect_vreg.gather [hbm4b:s7+s3], $0x80, v3, vm0, $0xb8;
	[tilespmem:$0x14100] =	vst v63  }
0x1ab: {  	s4 =	simm.s32 $0x9900  }
0x1ac: {  	[tilespmem:s4], [sflag:$0x1] =	stream.indirect_vreg.gather [hbm4b:s8+s3], $0x80, v3, vm0, $0xb8;
	[tilespmem:$0x14100] =	vst v63  }
0x1ad: {  	_ =	swait.ge [sflag:s31], $0xA000  }
0x1ae: {  	[sflag:s31] =	ssyncset.done $0x0  }
0x1af: {  	s4 =	rddreg [dreg:$0x9];
	[sflag:s31] =	ssyncadd.s32 $0xFFFF6000  }
0x1b0: {  	[hbm4b:s4+s3] =	stream.linear.scatter [tilespmem:s11], [sflag:$0x4], $0xA000, $0x38;
	[tilespmem:$0x14100] =	vst v63  }
0x1b1: {  	_ =	swait.ge [sflag:s0], $0xA000  }
0x1b2: {  	[sflag:s0] =	ssyncset.done $0x0  }
0x1b3: {  	[sflag:s0] =	ssyncadd.s32 $0xFFFF6000  }
0x1b4: {  	v3 =	vld [tilespmem:$0xE0];
	_ =	sdelay $0x4  }
0x1b5: {  	v62 =	vshrl.u32 v3, $0x3  }
0x1b6: {  	v4 =	vmul.u32 $0x50, v62  }
0x1b7: {  	v3 =	vand.u32 $0x7, v3  }
0x1b8: {  	v3 =	vor.u32 v3, v4  }
0x1b9: {  	v4 =	vperm.xlane v3, v0;
	_ =	sdelay $0x1  }
0x1ba: {  	v4 =	vadd.s32 v1, v4;
	_ =	sdelay $0x4  }
0x1bb: {  	[tilespmem:s11], [sflag:$0x2] =	stream.indirect_vreg.gather [hbm4b:s1+s3], $0x80, v4, vm0, $0xb8;
	[tilespmem:$0x14100] =	vst v63  }
0x1bc: {  	s16 =	simm.s32 $0xA900  }
0x1bd: {  	[tilespmem:s16], [sflag:$0x2] =	stream.indirect_vreg.gather [hbm4b:s5+s3], $0x80, v4, vm0, $0xb8;
	[tilespmem:$0x14100] =	vst v63  }
0x1be: {  	s17 =	simm.s32 $0xB100;
	v3 =	vperm.xlane v3, v2  }
0x1bf: {  	[tilespmem:s17], [sflag:$0x2] =	stream.indirect_vreg.gather [hbm4b:s6+s3], $0x80, v4, vm0, $0xb8;
	[tilespmem:$0x14100] =	vst v63  }
0x1c0: {  	s10 =	simm.s32 $0xB900;
	v3 =	vadd.s32 v1, v3  }
0x1c1: {  	[tilespmem:s10], [sflag:$0x2] =	stream.indirect_vreg.gather [hbm4b:s7+s3], $0x80, v4, vm0, $0xb8;
	[tilespmem:$0x14100] =	vst v63  }
0x1c2: {  	s17 =	simm.s32 $0xC100  }
0x1c3: {  	[tilespmem:s17], [sflag:$0x2] =	stream.indirect_vreg.gather [hbm4b:s8+s3], $0x80, v4, vm0, $0xb8;
	[tilespmem:$0x14100] =	vst v63  }
0x1c4: {  	s13 =	simm.s32 $0xC900  }
0x1c5: {  	[tilespmem:s13], [sflag:$0x2] =	stream.indirect_vreg.gather [hbm4b:s1+s3], $0x80, v3, vm0, $0xb8;
	[tilespmem:$0x14100] =	vst v63  }
0x1c6: {  	s19 =	simm.s32 $0xD100  }
0x1c7: {  	[tilespmem:s19], [sflag:$0x2] =	stream.indirect_vreg.gather [hbm4b:s5+s3], $0x80, v3, vm0, $0xb8;
	[tilespmem:$0x14100] =	vst v63  }
0x1c8: {  	s25 =	simm.s32 $0xD900  }
0x1c9: {  	[tilespmem:s25], [sflag:$0x2] =	stream.indirect_vreg.gather [hbm4b:s6+s3], $0x80, v3, vm0, $0xb8;
	[tilespmem:$0x14100] =	vst v63  }
0x1ca: {  	s12 =	simm.s32 $0xE100  }
0x1cb: {  	[tilespmem:s12], [sflag:$0x2] =	stream.indirect_vreg.gather [hbm4b:s7+s3], $0x80, v3, vm0, $0xb8;
	[tilespmem:$0x14100] =	vst v63  }
0x1cc: {  	s24 =	simm.s32 $0xE900  }
0x1cd: {  	[tilespmem:s24], [sflag:$0x2] =	stream.indirect_vreg.gather [hbm4b:s8+s3], $0x80, v3, vm0, $0xb8;
	[tilespmem:$0x14100] =	vst v63  }
0x1ce: {  	v3 =	vld [tilespmem:$0xF0];
	_ =	sdelay $0x4  }
0x1cf: {  	v63 =	vshrl.u32 v3, $0x3  }
0x1d0: {  	v4 =	vmul.u32 $0x50, v63  }
0x1d1: {  	v3 =	vand.u32 $0x7, v3  }
0x1d2: {  	v3 =	vor.u32 v3, v4  }
0x1d3: {  	v4 =	vperm.xlane v3, v0;
	_ =	sdelay $0x1  }
0x1d4: {  	v4 =	vadd.s32 v1, v4;
	_ =	sdelay $0x3  }
0x1d5: {  	s14 =	simm.s32 $0xF100  }
0x1d6: {  	[tilespmem:s14], [sflag:$0x2] =	stream.indirect_vreg.gather [hbm4b:s1+s3], $0x80, v4, vm0, $0xb8;
	[tilespmem:$0x14100] =	vst v63  }
0x1d7: {  	s26 =	simm.s32 $0xF900  }
0x1d8: {  	[tilespmem:s26], [sflag:$0x2] =	stream.indirect_vreg.gather [hbm4b:s5+s3], $0x80, v4, vm0, $0xb8;
	[tilespmem:$0x14100] =	vst v63  }
0x1d9: {  	s28 =	simm.s32 $0x10100;
	v3 =	vperm.xlane v3, v2  }
0x1da: {  	[tilespmem:s28], [sflag:$0x2] =	stream.indirect_vreg.gather [hbm4b:s6+s3], $0x80, v4, vm0, $0xb8;
	[tilespmem:$0x14100] =	vst v63  }
0x1db: {  	s18 =	simm.s32 $0x10900;
	v3 =	vadd.s32 v1, v3  }
0x1dc: {  	[tilespmem:s18], [sflag:$0x2] =	stream.indirect_vreg.gather [hbm4b:s7+s3], $0x80, v4, vm0, $0xb8;
	[tilespmem:$0x14100] =	vst v63  }
0x1dd: {  	s15 =	simm.s32 $0x11100  }
0x1de: {  	[tilespmem:s15], [sflag:$0x2] =	stream.indirect_vreg.gather [hbm4b:s8+s3], $0x80, v4, vm0, $0xb8;
	[tilespmem:$0x14100] =	vst v63  }
0x1df: {  	s20 =	simm.s32 $0x11900  }
0x1e0: {  	[tilespmem:s20], [sflag:$0x2] =	stream.indirect_vreg.gather [hbm4b:s1+s3], $0x80, v3, vm0, $0xb8;
	[tilespmem:$0x14100] =	vst v63  }
0x1e1: {  	s21 =	simm.s32 $0x12100  }
0x1e2: {  	[tilespmem:s21], [sflag:$0x2] =	stream.indirect_vreg.gather [hbm4b:s5+s3], $0x80, v3, vm0, $0xb8;
	[tilespmem:$0x14100] =	vst v63  }
0x1e3: {  	s22 =	simm.s32 $0x12900  }
0x1e4: {  	[tilespmem:s22], [sflag:$0x2] =	stream.indirect_vreg.gather [hbm4b:s6+s3], $0x80, v3, vm0, $0xb8;
	[tilespmem:$0x14100] =	vst v63  }
0x1e5: {  	s23 =	simm.s32 $0x13100  }
0x1e6: {  	[tilespmem:s23], [sflag:$0x2] =	stream.indirect_vreg.gather [hbm4b:s7+s3], $0x80, v3, vm0, $0xb8;
	[tilespmem:$0x14100] =	vst v63  }
0x1e7: {  	s25 =	simm.s32 $0x13900  }
0x1e8: {  	[tilespmem:s25], [sflag:$0x2] =	stream.indirect_vreg.gather [hbm4b:s8+s3], $0x80, v3, vm0, $0xb8;
	[tilespmem:$0x14100] =	vst v63  }
0x1e9: {  	_ =	swait.ge [sflag:s29], $0xA000  }
0x1ea: {  	[sflag:s29] =	ssyncset.done $0x0  }
0x1eb: {  	s26 =	rddreg [dreg:$0xa];
	[sflag:s29] =	ssyncadd.s32 $0xFFFF6000  }
0x1ec: {  	[hbm4b:s26+s3] =	stream.linear.scatter [tilespmem:s2], [sflag:$0x3], $0xA000, $0x38;
	[tilespmem:$0x14100] =	vst v63  }
0x1ed: {  	_ =	swait.ge [sflag:s31], $0xA000  }
0x1ee: {  	[sflag:s31] =	ssyncset.done $0x0  }
0x1ef: {  	s28 =	rddreg [dreg:$0xb];
	[sflag:s31] =	ssyncadd.s32 $0xFFFF6000  }
0x1f0: {  	[hbm4b:s28+s3] =	stream.linear.scatter [tilespmem:s11], [sflag:$0x4], $0xA000, $0x38;
	[tilespmem:$0x14100] =	vst v63  }
0x1f1: {  	p0 =	sne.s32 s9, $0x1;
	_ =	swait.ge [sflag:s30], $0xA000  }
.Ltmp0:
0x1f2: {  	[sflag:s30] =	ssyncset.done $0x0;
	(pc) =	sbr.rel @p0 .LBB2_1-.Ltmp0, $4  }
0x1f3: {  	[sflag:s30] =	ssyncadd.s32 $0xFFFF6000  }
0x1f4: {  	_ =	swait.ge [sflag:s0], $0xA000  }
0x1f5: {  	[sflag:s0] =	ssyncset.done $0x0  }
0x1f6: {  	s9 =	sadd.s32 $0xFFFFFFFF, s9;
	[sflag:s0] =	ssyncadd.s32 $0xFFFF6000  }
0x1f7: {  	_ =	sfence.sel $0x180000  }
0x1f8: {  	[bflag:$0x0] =	sbarrier.arrive $0xFFFF  }
0x1f9: {  	_ =	strace $0x90000047  }
0x1fa: {  	s0 =	stileid.u32;
	[bflag:$0x2] =	sbarrier.arrive $0xFFFF  }
0x1fb: {  	p0 =	sne.s32 s0, $0x0;
	s0 =	rddreg [dreg:$0x3]  }
0x1fc: {  	s0 =	sadd.s32 @!p0 $0x100000, s0  }
0x1fd: {  	[sflag:s0] =	ssyncadd.tile.s32 @!p0 $0x1;
	_ =	shalt  }
.Lfunc_end2:
_tile_overlayer_lowered:
.L_overlay_start_2:
0x1fe: {  	(tag) =	ssettag $0x2  }
0x1ff: {  	s0 =	rddreg [dreg:$0x0];
	s2 =	stileid.u32  }
0x200: {  	s1 =	rddreg [dreg:$0x1];
	p0 =	sne.s32 s2, $0x0  }
0x201: {  	s3 =	rddreg [dreg:$0x2];
	[bflag:$0x3] =	sbarrier.arrive $0xFFFF;
	s2 =	simm.s32 @!p0 $0x1C05  }
0x202: {  	[timem:s3], [sflag:s2] =	dma.local @!p0 [hbm:s0], s1  }
0x203: {  	s0 =	simm.s32 @!p0 $0x5  }
0x204: {  	_ =	swait.ge @!p0 [sflag:s0], s1  }
0x205: {  	s1 =	ssub.s32 @!p0 $0x0, s1;
	[sflag:s0] =	ssyncset.done @!p0 $0x0  }
0x206: {  	[sflag:s0] =	ssyncadd.s32 @!p0 s1  }
0x207: {  	[bflag:$0x3] =	sbarrier.arrive $0xFFFF  }
0x208: {  	_ =	shalt  }

</sc_bundles>
